<compile_context>
chip_gen: v7x
topology: tpu7x:2x2x1
jax: 0.10.2.dev20260603
libtpu: 0.0.44.dev20260713+nightly
codegen_flags: <defaults>
</compile_context>

<pallas_src>
import functools

import jax
import jax.numpy as jnp
from jax import lax
from jax.experimental import pallas as pl
from jax.experimental.pallas import tpu as pltpu
from jax.experimental.pallas import tpu_sc as plsc

_NC = 2
_NS = 16
_NW = _NC * _NS

_DW = 32
_GROUP = 128
_K = 5
_NB = 4
_MAIN_UNROLL = 4


def _gather_body(g_per_worker, idx_hbm, w_hbm, out_hbm, idx_v,
                 rows0, rows1, rows2, rows3,
                 gsem0, gsem1, gsem2, gsem3,
                 ssem0, ssem1, ssem2, ssem3):
    wid = lax.axis_index("s") * _NC + lax.axis_index("c")
    base_g = wid * g_per_worker
    n_rounds = g_per_worker // _K

    rows = [rows0, rows1, rows2, rows3]
    gsem = [gsem0, gsem1, gsem2, gsem3]
    ssem = [ssem0, ssem1, ssem2, ssem3]

    pltpu.sync_copy(idx_hbm.at[pl.ds(base_g, g_per_worker)], idx_v)

    def fire_gathers(r, slot):
        for g in range(_K):
            pltpu.async_copy(w_hbm.at[idx_v.at[r * _K + g]],
                             rows[slot].at[pl.ds(g * _GROUP, _GROUP)],
                             gsem[slot])

    def out_slice(r):
        return out_hbm.at[pl.ds((base_g + r * _K) * _GROUP, _K * _GROUP)]

    def drain_gathers(r, slot):
        pltpu.make_async_copy(out_slice(r), rows[slot], gsem[slot]).wait()

    def fire_store(r, slot):
        pltpu.async_copy(rows[slot], out_slice(r), ssem[slot])

    def wait_store(r_old, slot):
        pltpu.make_async_copy(rows[slot], out_slice(r_old), ssem[slot]).wait()

    fire_gathers(0, 0)
    fire_gathers(1, 1)

    for r in (0, 1):
        fire_gathers(r + 2, r + 2)
        drain_gathers(r, r)
        fire_store(r, r)

    def main_body(i, carry):
        r0 = 2 + i * _MAIN_UNROLL
        for j in range(_MAIN_UNROLL):
            r = r0 + j
            slot = (2 + j) % _NB
            nxt = (slot + 2) % _NB
            wait_store(r - 2, nxt)
            fire_gathers(r + 2, nxt)
            drain_gathers(r, slot)
            fire_store(r, slot)
        return carry

    n_main = (n_rounds - 4) // _MAIN_UNROLL
    lax.fori_loop(0, n_main, main_body, 0)

    for r in (n_rounds - 2, n_rounds - 1):
        slot = r % _NB
        drain_gathers(r, slot)
        fire_store(r, slot)

    for r in range(n_rounds - _NB, n_rounds):
        wait_store(r, r % _NB)


def kernel(input_ids, w):
    batch, seq = input_ids.shape
    n_vocab, d_emb = w.shape
    n_idx = batch * seq
    assert d_emb == 2 * _DW
    assert n_idx % (_NW * _GROUP) == 0

    g_total = n_idx // _GROUP
    g_per_worker = g_total // _NW
    n_rounds = g_per_worker // _K
    assert g_per_worker % _K == 0
    assert (n_rounds - 4) % _MAIN_UNROLL == 0

    idx2 = input_ids.reshape(g_total, _GROUP)

    mesh = plsc.VectorSubcoreMesh(core_axis_name="c", subcore_axis_name="s")
    run = pl.kernel(
        functools.partial(_gather_body, g_per_worker),
        out_type=jax.ShapeDtypeStruct((n_idx, d_emb), jnp.bfloat16),
        mesh=mesh,
        scratch_types=(
            [pltpu.VMEM((g_per_worker, _GROUP), jnp.int32)]
            + [pltpu.VMEM((_K * _GROUP, d_emb), jnp.bfloat16)] * _NB
            + [pltpu.SemaphoreType.DMA] * (2 * _NB)
        ),
        compiler_params=pltpu.CompilerParams(use_tc_tiling_on_sc=False),
    )
    out = run(idx2, w)
    return out.reshape(batch, seq, d_emb)

# --- scband reference (transcript-rebuilt; emitter-appended) ---
"""Pipeline reference for scband-embeddings-42228118454914 (READ-ONLY COPY).

The authoritative reference and input builder live on the scoring server;
editing this copy changes nothing except your own understanding.
"""

import jax, jax.numpy as jnp
import numpy as np

N_VOCAB = 1000000
D_EMB = 64
BATCH = 4096
SEQ = 200


def setup_inputs(seed: int = 0) -> dict:
    key = jax.random.key(seed)
    k_idx, k_w = jax.random.split(key)
    input_ids = jax.random.randint(k_idx, (BATCH, SEQ), 0, N_VOCAB, dtype=jnp.int32)
    # xavier_normal_ init: std = sqrt(2 / (fan_in + fan_out))
    std = float(np.sqrt(2.0 / (N_VOCAB + D_EMB)))
    w = (jax.random.normal(k_w, (N_VOCAB, D_EMB), dtype=jnp.float32) * std).astype(jnp.bfloat16)
    return {"input_ids": input_ids, "w": w}


def reference(input_ids, w):
    batch_size, seq_length = input_ids.shape
    flat_ids = input_ids.reshape(-1)
    embeddings = jnp.take(w, flat_ids, axis=0)
    return embeddings.reshape(batch_size, seq_length, w.shape[1])

if __name__ == "__main__":
    import jax
    _d = setup_inputs()
    print(jax.jit(kernel)(*tuple(_d.values())))

</pallas_src>

<mosaic_0001>
#map = affine_map<(d0, d1) -> (0, 0)>
module attributes {stable_mosaic.version = 14 : i64} {
  func.func @_gather_body(%arg0: i32, %arg1: i32, %arg2: memref<6400x128xi32, #tpu.memory_space<hbm>>, %arg3: memref<1000000x64xbf16, #tpu.memory_space<hbm>>, %arg4: memref<819200x64xbf16, #tpu.memory_space<hbm>>, %arg5: memref<200x128xi32, #tpu.memory_space<vmem>>, %arg6: memref<640x64xbf16, #tpu.memory_space<vmem>>, %arg7: memref<640x64xbf16, #tpu.memory_space<vmem>>, %arg8: memref<640x64xbf16, #tpu.memory_space<vmem>>, %arg9: memref<640x64xbf16, #tpu.memory_space<vmem>>, %arg10: memref<!tpu.dma_semaphore, #tpu.memory_space<semaphore_mem>>, %arg11: memref<!tpu.dma_semaphore, #tpu.memory_space<semaphore_mem>>, %arg12: memref<!tpu.dma_semaphore, #tpu.memory_space<semaphore_mem>>, %arg13: memref<!tpu.dma_semaphore, #tpu.memory_space<semaphore_mem>>, %arg14: memref<!tpu.dma_semaphore, #tpu.memory_space<semaphore_mem>>, %arg15: memref<!tpu.dma_semaphore, #tpu.memory_space<semaphore_mem>>, %arg16: memref<!tpu.dma_semaphore, #tpu.memory_space<semaphore_mem>>, %arg17: memref<!tpu.dma_semaphore, #tpu.memory_space<semaphore_mem>>) attributes {dimension_semantics = [#tpu.dimension_semantics<core_parallel>, #tpu.dimension_semantics<subcore_parallel>], iteration_bounds = array<i64: 2, 16>, scalar_prefetch = 0 : i64, scratch_operands = 13 : i64, tpu.core_type = #tpu.core_type<sc_vector_subcore>, window_params = [{transform_indices = #map}, {transform_indices = #map}, {transform_indices = #map}]} {
    %mul3A = arith.constant 2 : i32
    %mul3A_0 = arith.muli %arg1, %mul3A : i32
    %add3A = arith.addi %mul3A_0, %arg0 : i32
    %mul3A_1 = arith.constant 200 : i32
    %mul3A_2 = arith.muli %add3A, %mul3A_1 : i32
    "tpu.region"() ({
      %run_scoped3A = tpu.sem_alloc : memref<!tpu.dma_semaphore, #tpu.memory_space<semaphore_mem>>
      %dma_start3A_302 = arith.constant 0 : i32
      %dma_start3A_303 = tpu.memref_slice %arg2[%mul3A_2, %dma_start3A_302] : memref<6400x128xi32, #tpu.memory_space<hbm>> -> memref<200x128xi32, #tpu.memory_space<hbm>>
      %dma_start3A_304 = arith.constant 0 : i32
      %dma_start3A_305 = tpu.memref_slice %arg2[%mul3A_2, %dma_start3A_304] : memref<6400x128xi32, #tpu.memory_space<hbm>> -> memref<200x128xi32, #tpu.memory_space<hbm>>
      tpu.enqueue_dma source(%dma_start3A_305 : memref<200x128xi32, #tpu.memory_space<hbm>>) target(%arg5 : memref<200x128xi32, #tpu.memory_space<vmem>>) target_semaphore(%run_scoped3A : memref<!tpu.dma_semaphore, #tpu.memory_space<semaphore_mem>>)
      %dma_wait3A_306 = arith.constant 0 : i32
      %dma_wait3A_307 = tpu.memref_slice %arg2[%mul3A_2, %dma_wait3A_306] : memref<6400x128xi32, #tpu.memory_space<hbm>> -> memref<200x128xi32, #tpu.memory_space<hbm>>
      %dma_wait3A_308 = arith.constant 0 : i32
      %dma_wait3A_309 = tpu.memref_slice %arg2[%mul3A_2, %dma_wait3A_308] : memref<6400x128xi32, #tpu.memory_space<hbm>> -> memref<200x128xi32, #tpu.memory_space<hbm>>
      tpu.wait_dma2 semaphore(%run_scoped3A : memref<!tpu.dma_semaphore, #tpu.memory_space<semaphore_mem>>) src(%dma_wait3A_309 : memref<200x128xi32, #tpu.memory_space<hbm>>) dst(%arg5 : memref<200x128xi32, #tpu.memory_space<vmem>>)
      tpu.yield
    }) : () -> ()
    %dma_start3A = arith.constant 0 : i32
    %dma_start3A_3 = arith.constant 0 : i32
    %dma_start3A_4 = arith.constant 0 : i32
    %dma_start3A_5 = tpu.memref_slice %arg6[%dma_start3A_3, %dma_start3A_4] : memref<640x64xbf16, #tpu.memory_space<vmem>> -> memref<128x64xbf16, #tpu.memory_space<vmem>>
    %dma_start3A_6 = arith.constant 0 : i32
    %dma_start3A_7 = tpu.memref_slice %arg5[%dma_start3A, %dma_start3A_6] : memref<200x128xi32, #tpu.memory_space<vmem>> -> memref<1x128xi32, #tpu.memory_space<vmem>>
    %dma_start3A_8 = tpu.memref_squeeze %dma_start3A_7 : memref<1x128xi32, #tpu.memory_space<vmem>> -> memref<128xi32, #tpu.memory_space<vmem>>
    %dma_start3A_9 = arith.constant 0 : i32
    %dma_start3A_10 = arith.constant 0 : i32
    %dma_start3A_11 = tpu.memref_slice %arg3[%dma_start3A_9, %dma_start3A_10] : memref<1000000x64xbf16, #tpu.memory_space<hbm>> -> memref<1000000x64xbf16, #tpu.memory_space<hbm>>
    tpu.enqueue_indirect_dma source(%dma_start3A_11 : memref<1000000x64xbf16, #tpu.memory_space<hbm>>) target(%dma_start3A_5 : memref<128x64xbf16, #tpu.memory_space<vmem>>) offsets(%dma_start3A_8 : memref<128xi32, #tpu.memory_space<vmem>>) semaphore(%arg10 : memref<!tpu.dma_semaphore, #tpu.memory_space<semaphore_mem>>)
    %dma_start3A_12 = arith.constant 1 : i32
    %dma_start3A_13 = arith.constant 128 : i32
    %dma_start3A_14 = arith.constant 0 : i32
    %dma_start3A_15 = tpu.memref_slice %arg6[%dma_start3A_13, %dma_start3A_14] : memref<640x64xbf16, #tpu.memory_space<vmem>> -> memref<128x64xbf16, #tpu.memory_space<vmem>>
    %dma_start3A_16 = arith.constant 0 : i32
    %dma_start3A_17 = tpu.memref_slice %arg5[%dma_start3A_12, %dma_start3A_16] : memref<200x128xi32, #tpu.memory_space<vmem>> -> memref<1x128xi32, #tpu.memory_space<vmem>>
    %dma_start3A_18 = tpu.memref_squeeze %dma_start3A_17 : memref<1x128xi32, #tpu.memory_space<vmem>> -> memref<128xi32, #tpu.memory_space<vmem>>
    %dma_start3A_19 = arith.constant 0 : i32
    %dma_start3A_20 = arith.constant 0 : i32
    %dma_start3A_21 = tpu.memref_slice %arg3[%dma_start3A_19, %dma_start3A_20] : memref<1000000x64xbf16, #tpu.memory_space<hbm>> -> memref<1000000x64xbf16, #tpu.memory_space<hbm>>
    tpu.enqueue_indirect_dma source(%dma_start3A_21 : memref<1000000x64xbf16, #tpu.memory_space<hbm>>) target(%dma_start3A_15 : memref<128x64xbf16, #tpu.memory_space<vmem>>) offsets(%dma_start3A_18 : memref<128xi32, #tpu.memory_space<vmem>>) semaphore(%arg10 : memref<!tpu.dma_semaphore, #tpu.memory_space<semaphore_mem>>)
    %dma_start3A_22 = arith.constant 2 : i32
    %dma_start3A_23 = arith.constant 256 : i32
    %dma_start3A_24 = arith.constant 0 : i32
    %dma_start3A_25 = tpu.memref_slice %arg6[%dma_start3A_23, %dma_start3A_24] : memref<640x64xbf16, #tpu.memory_space<vmem>> -> memref<128x64xbf16, #tpu.memory_space<vmem>>
    %dma_start3A_26 = arith.constant 0 : i32
    %dma_start3A_27 = tpu.memref_slice %arg5[%dma_start3A_22, %dma_start3A_26] : memref<200x128xi32, #tpu.memory_space<vmem>> -> memref<1x128xi32, #tpu.memory_space<vmem>>
    %dma_start3A_28 = tpu.memref_squeeze %dma_start3A_27 : memref<1x128xi32, #tpu.memory_space<vmem>> -> memref<128xi32, #tpu.memory_space<vmem>>
    %dma_start3A_29 = arith.constant 0 : i32
    %dma_start3A_30 = arith.constant 0 : i32
    %dma_start3A_31 = tpu.memref_slice %arg3[%dma_start3A_29, %dma_start3A_30] : memref<1000000x64xbf16, #tpu.memory_space<hbm>> -> memref<1000000x64xbf16, #tpu.memory_space<hbm>>
    tpu.enqueue_indirect_dma source(%dma_start3A_31 : memref<1000000x64xbf16, #tpu.memory_space<hbm>>) target(%dma_start3A_25 : memref<128x64xbf16, #tpu.memory_space<vmem>>) offsets(%dma_start3A_28 : memref<128xi32, #tpu.memory_space<vmem>>) semaphore(%arg10 : memref<!tpu.dma_semaphore, #tpu.memory_space<semaphore_mem>>)
    %dma_start3A_32 = arith.constant 3 : i32
    %dma_start3A_33 = arith.constant 384 : i32
    %dma_start3A_34 = arith.constant 0 : i32
    %dma_start3A_35 = tpu.memref_slice %arg6[%dma_start3A_33, %dma_start3A_34] : memref<640x64xbf16, #tpu.memory_space<vmem>> -> memref<128x64xbf16, #tpu.memory_space<vmem>>
    %dma_start3A_36 = arith.constant 0 : i32
    %dma_start3A_37 = tpu.memref_slice %arg5[%dma_start3A_32, %dma_start3A_36] : memref<200x128xi32, #tpu.memory_space<vmem>> -> memref<1x128xi32, #tpu.memory_space<vmem>>
    %dma_start3A_38 = tpu.memref_squeeze %dma_start3A_37 : memref<1x128xi32, #tpu.memory_space<vmem>> -> memref<128xi32, #tpu.memory_space<vmem>>
    %dma_start3A_39 = arith.constant 0 : i32
    %dma_start3A_40 = arith.constant 0 : i32
    %dma_start3A_41 = tpu.memref_slice %arg3[%dma_start3A_39, %dma_start3A_40] : memref<1000000x64xbf16, #tpu.memory_space<hbm>> -> memref<1000000x64xbf16, #tpu.memory_space<hbm>>
    tpu.enqueue_indirect_dma source(%dma_start3A_41 : memref<1000000x64xbf16, #tpu.memory_space<hbm>>) target(%dma_start3A_35 : memref<128x64xbf16, #tpu.memory_space<vmem>>) offsets(%dma_start3A_38 : memref<128xi32, #tpu.memory_space<vmem>>) semaphore(%arg10 : memref<!tpu.dma_semaphore, #tpu.memory_space<semaphore_mem>>)
    %dma_start3A_42 = arith.constant 4 : i32
    %dma_start3A_43 = arith.constant 512 : i32
    %dma_start3A_44 = arith.constant 0 : i32
    %dma_start3A_45 = tpu.memref_slice %arg6[%dma_start3A_43, %dma_start3A_44] : memref<640x64xbf16, #tpu.memory_space<vmem>> -> memref<128x64xbf16, #tpu.memory_space<vmem>>
    %dma_start3A_46 = arith.constant 0 : i32
    %dma_start3A_47 = tpu.memref_slice %arg5[%dma_start3A_42, %dma_start3A_46] : memref<200x128xi32, #tpu.memory_space<vmem>> -> memref<1x128xi32, #tpu.memory_space<vmem>>
    %dma_start3A_48 = tpu.memref_squeeze %dma_start3A_47 : memref<1x128xi32, #tpu.memory_space<vmem>> -> memref<128xi32, #tpu.memory_space<vmem>>
    %dma_start3A_49 = arith.constant 0 : i32
    %dma_start3A_50 = arith.constant 0 : i32
    %dma_start3A_51 = tpu.memref_slice %arg3[%dma_start3A_49, %dma_start3A_50] : memref<1000000x64xbf16, #tpu.memory_space<hbm>> -> memref<1000000x64xbf16, #tpu.memory_space<hbm>>
    tpu.enqueue_indirect_dma source(%dma_start3A_51 : memref<1000000x64xbf16, #tpu.memory_space<hbm>>) target(%dma_start3A_45 : memref<128x64xbf16, #tpu.memory_space<vmem>>) offsets(%dma_start3A_48 : memref<128xi32, #tpu.memory_space<vmem>>) semaphore(%arg10 : memref<!tpu.dma_semaphore, #tpu.memory_space<semaphore_mem>>)
    %dma_start3A_52 = arith.constant 5 : i32
    %dma_start3A_53 = arith.constant 0 : i32
    %dma_start3A_54 = arith.constant 0 : i32
    %dma_start3A_55 = tpu.memref_slice %arg7[%dma_start3A_53, %dma_start3A_54] : memref<640x64xbf16, #tpu.memory_space<vmem>> -> memref<128x64xbf16, #tpu.memory_space<vmem>>
    %dma_start3A_56 = arith.constant 0 : i32
    %dma_start3A_57 = tpu.memref_slice %arg5[%dma_start3A_52, %dma_start3A_56] : memref<200x128xi32, #tpu.memory_space<vmem>> -> memref<1x128xi32, #tpu.memory_space<vmem>>
    %dma_start3A_58 = tpu.memref_squeeze %dma_start3A_57 : memref<1x128xi32, #tpu.memory_space<vmem>> -> memref<128xi32, #tpu.memory_space<vmem>>
    %dma_start3A_59 = arith.constant 0 : i32
    %dma_start3A_60 = arith.constant 0 : i32
    %dma_start3A_61 = tpu.memref_slice %arg3[%dma_start3A_59, %dma_start3A_60] : memref<1000000x64xbf16, #tpu.memory_space<hbm>> -> memref<1000000x64xbf16, #tpu.memory_space<hbm>>
    tpu.enqueue_indirect_dma source(%dma_start3A_61 : memref<1000000x64xbf16, #tpu.memory_space<hbm>>) target(%dma_start3A_55 : memref<128x64xbf16, #tpu.memory_space<vmem>>) offsets(%dma_start3A_58 : memref<128xi32, #tpu.memory_space<vmem>>) semaphore(%arg11 : memref<!tpu.dma_semaphore, #tpu.memory_space<semaphore_mem>>)
    %dma_start3A_62 = arith.constant 6 : i32
    %dma_start3A_63 = arith.constant 128 : i32
    %dma_start3A_64 = arith.constant 0 : i32
    %dma_start3A_65 = tpu.memref_slice %arg7[%dma_start3A_63, %dma_start3A_64] : memref<640x64xbf16, #tpu.memory_space<vmem>> -> memref<128x64xbf16, #tpu.memory_space<vmem>>
    %dma_start3A_66 = arith.constant 0 : i32
    %dma_start3A_67 = tpu.memref_slice %arg5[%dma_start3A_62, %dma_start3A_66] : memref<200x128xi32, #tpu.memory_space<vmem>> -> memref<1x128xi32, #tpu.memory_space<vmem>>
    %dma_start3A_68 = tpu.memref_squeeze %dma_start3A_67 : memref<1x128xi32, #tpu.memory_space<vmem>> -> memref<128xi32, #tpu.memory_space<vmem>>
    %dma_start3A_69 = arith.constant 0 : i32
    %dma_start3A_70 = arith.constant 0 : i32
    %dma_start3A_71 = tpu.memref_slice %arg3[%dma_start3A_69, %dma_start3A_70] : memref<1000000x64xbf16, #tpu.memory_space<hbm>> -> memref<1000000x64xbf16, #tpu.memory_space<hbm>>
    tpu.enqueue_indirect_dma source(%dma_start3A_71 : memref<1000000x64xbf16, #tpu.memory_space<hbm>>) target(%dma_start3A_65 : memref<128x64xbf16, #tpu.memory_space<vmem>>) offsets(%dma_start3A_68 : memref<128xi32, #tpu.memory_space<vmem>>) semaphore(%arg11 : memref<!tpu.dma_semaphore, #tpu.memory_space<semaphore_mem>>)
    %dma_start3A_72 = arith.constant 7 : i32
    %dma_start3A_73 = arith.constant 256 : i32
    %dma_start3A_74 = arith.constant 0 : i32
    %dma_start3A_75 = tpu.memref_slice %arg7[%dma_start3A_73, %dma_start3A_74] : memref<640x64xbf16, #tpu.memory_space<vmem>> -> memref<128x64xbf16, #tpu.memory_space<vmem>>
    %dma_start3A_76 = arith.constant 0 : i32
    %dma_start3A_77 = tpu.memref_slice %arg5[%dma_start3A_72, %dma_start3A_76] : memref<200x128xi32, #tpu.memory_space<vmem>> -> memref<1x128xi32, #tpu.memory_space<vmem>>
    %dma_start3A_78 = tpu.memref_squeeze %dma_start3A_77 : memref<1x128xi32, #tpu.memory_space<vmem>> -> memref<128xi32, #tpu.memory_space<vmem>>
    %dma_start3A_79 = arith.constant 0 : i32
    %dma_start3A_80 = arith.constant 0 : i32
    %dma_start3A_81 = tpu.memref_slice %arg3[%dma_start3A_79, %dma_start3A_80] : memref<1000000x64xbf16, #tpu.memory_space<hbm>> -> memref<1000000x64xbf16, #tpu.memory_space<hbm>>
    tpu.enqueue_indirect_dma source(%dma_start3A_81 : memref<1000000x64xbf16, #tpu.memory_space<hbm>>) target(%dma_start3A_75 : memref<128x64xbf16, #tpu.memory_space<vmem>>) offsets(%dma_start3A_78 : memref<128xi32, #tpu.memory_space<vmem>>) semaphore(%arg11 : memref<!tpu.dma_semaphore, #tpu.memory_space<semaphore_mem>>)
    %dma_start3A_82 = arith.constant 8 : i32
    %dma_start3A_83 = arith.constant 384 : i32
    %dma_start3A_84 = arith.constant 0 : i32
    %dma_start3A_85 = tpu.memref_slice %arg7[%dma_start3A_83, %dma_start3A_84] : memref<640x64xbf16, #tpu.memory_space<vmem>> -> memref<128x64xbf16, #tpu.memory_space<vmem>>
    %dma_start3A_86 = arith.constant 0 : i32
    %dma_start3A_87 = tpu.memref_slice %arg5[%dma_start3A_82, %dma_start3A_86] : memref<200x128xi32, #tpu.memory_space<vmem>> -> memref<1x128xi32, #tpu.memory_space<vmem>>
    %dma_start3A_88 = tpu.memref_squeeze %dma_start3A_87 : memref<1x128xi32, #tpu.memory_space<vmem>> -> memref<128xi32, #tpu.memory_space<vmem>>
    %dma_start3A_89 = arith.constant 0 : i32
    %dma_start3A_90 = arith.constant 0 : i32
    %dma_start3A_91 = tpu.memref_slice %arg3[%dma_start3A_89, %dma_start3A_90] : memref<1000000x64xbf16, #tpu.memory_space<hbm>> -> memref<1000000x64xbf16, #tpu.memory_space<hbm>>
    tpu.enqueue_indirect_dma source(%dma_start3A_91 : memref<1000000x64xbf16, #tpu.memory_space<hbm>>) target(%dma_start3A_85 : memref<128x64xbf16, #tpu.memory_space<vmem>>) offsets(%dma_start3A_88 : memref<128xi32, #tpu.memory_space<vmem>>) semaphore(%arg11 : memref<!tpu.dma_semaphore, #tpu.memory_space<semaphore_mem>>)
    %dma_start3A_92 = arith.constant 9 : i32
    %dma_start3A_93 = arith.constant 512 : i32
    %dma_start3A_94 = arith.constant 0 : i32
    %dma_start3A_95 = tpu.memref_slice %arg7[%dma_start3A_93, %dma_start3A_94] : memref<640x64xbf16, #tpu.memory_space<vmem>> -> memref<128x64xbf16, #tpu.memory_space<vmem>>
    %dma_start3A_96 = arith.constant 0 : i32
    %dma_start3A_97 = tpu.memref_slice %arg5[%dma_start3A_92, %dma_start3A_96] : memref<200x128xi32, #tpu.memory_space<vmem>> -> memref<1x128xi32, #tpu.memory_space<vmem>>
    %dma_start3A_98 = tpu.memref_squeeze %dma_start3A_97 : memref<1x128xi32, #tpu.memory_space<vmem>> -> memref<128xi32, #tpu.memory_space<vmem>>
    %dma_start3A_99 = arith.constant 0 : i32
    %dma_start3A_100 = arith.constant 0 : i32
    %dma_start3A_101 = tpu.memref_slice %arg3[%dma_start3A_99, %dma_start3A_100] : memref<1000000x64xbf16, #tpu.memory_space<hbm>> -> memref<1000000x64xbf16, #tpu.memory_space<hbm>>
    tpu.enqueue_indirect_dma source(%dma_start3A_101 : memref<1000000x64xbf16, #tpu.memory_space<hbm>>) target(%dma_start3A_95 : memref<128x64xbf16, #tpu.memory_space<vmem>>) offsets(%dma_start3A_98 : memref<128xi32, #tpu.memory_space<vmem>>) semaphore(%arg11 : memref<!tpu.dma_semaphore, #tpu.memory_space<semaphore_mem>>)
    %dma_start3A_102 = arith.constant 10 : i32
    %dma_start3A_103 = arith.constant 0 : i32
    %dma_start3A_104 = arith.constant 0 : i32
    %dma_start3A_105 = tpu.memref_slice %arg8[%dma_start3A_103, %dma_start3A_104] : memref<640x64xbf16, #tpu.memory_space<vmem>> -> memref<128x64xbf16, #tpu.memory_space<vmem>>
    %dma_start3A_106 = arith.constant 0 : i32
    %dma_start3A_107 = tpu.memref_slice %arg5[%dma_start3A_102, %dma_start3A_106] : memref<200x128xi32, #tpu.memory_space<vmem>> -> memref<1x128xi32, #tpu.memory_space<vmem>>
    %dma_start3A_108 = tpu.memref_squeeze %dma_start3A_107 : memref<1x128xi32, #tpu.memory_space<vmem>> -> memref<128xi32, #tpu.memory_space<vmem>>
    %dma_start3A_109 = arith.constant 0 : i32
    %dma_start3A_110 = arith.constant 0 : i32
    %dma_start3A_111 = tpu.memref_slice %arg3[%dma_start3A_109, %dma_start3A_110] : memref<1000000x64xbf16, #tpu.memory_space<hbm>> -> memref<1000000x64xbf16, #tpu.memory_space<hbm>>
    tpu.enqueue_indirect_dma source(%dma_start3A_111 : memref<1000000x64xbf16, #tpu.memory_space<hbm>>) target(%dma_start3A_105 : memref<128x64xbf16, #tpu.memory_space<vmem>>) offsets(%dma_start3A_108 : memref<128xi32, #tpu.memory_space<vmem>>) semaphore(%arg12 : memref<!tpu.dma_semaphore, #tpu.memory_space<semaphore_mem>>)
    %dma_start3A_112 = arith.constant 11 : i32
    %dma_start3A_113 = arith.constant 128 : i32
    %dma_start3A_114 = arith.constant 0 : i32
    %dma_start3A_115 = tpu.memref_slice %arg8[%dma_start3A_113, %dma_start3A_114] : memref<640x64xbf16, #tpu.memory_space<vmem>> -> memref<128x64xbf16, #tpu.memory_space<vmem>>
    %dma_start3A_116 = arith.constant 0 : i32
    %dma_start3A_117 = tpu.memref_slice %arg5[%dma_start3A_112, %dma_start3A_116] : memref<200x128xi32, #tpu.memory_space<vmem>> -> memref<1x128xi32, #tpu.memory_space<vmem>>
    %dma_start3A_118 = tpu.memref_squeeze %dma_start3A_117 : memref<1x128xi32, #tpu.memory_space<vmem>> -> memref<128xi32, #tpu.memory_space<vmem>>
    %dma_start3A_119 = arith.constant 0 : i32
    %dma_start3A_120 = arith.constant 0 : i32
    %dma_start3A_121 = tpu.memref_slice %arg3[%dma_start3A_119, %dma_start3A_120] : memref<1000000x64xbf16, #tpu.memory_space<hbm>> -> memref<1000000x64xbf16, #tpu.memory_space<hbm>>
    tpu.enqueue_indirect_dma source(%dma_start3A_121 : memref<1000000x64xbf16, #tpu.memory_space<hbm>>) target(%dma_start3A_115 : memref<128x64xbf16, #tpu.memory_space<vmem>>) offsets(%dma_start3A_118 : memref<128xi32, #tpu.memory_space<vmem>>) semaphore(%arg12 : memref<!tpu.dma_semaphore, #tpu.memory_space<semaphore_mem>>)
    %dma_start3A_122 = arith.constant 12 : i32
    %dma_start3A_123 = arith.constant 256 : i32
    %dma_start3A_124 = arith.constant 0 : i32
    %dma_start3A_125 = tpu.memref_slice %arg8[%dma_start3A_123, %dma_start3A_124] : memref<640x64xbf16, #tpu.memory_space<vmem>> -> memref<128x64xbf16, #tpu.memory_space<vmem>>
    %dma_start3A_126 = arith.constant 0 : i32
    %dma_start3A_127 = tpu.memref_slice %arg5[%dma_start3A_122, %dma_start3A_126] : memref<200x128xi32, #tpu.memory_space<vmem>> -> memref<1x128xi32, #tpu.memory_space<vmem>>
    %dma_start3A_128 = tpu.memref_squeeze %dma_start3A_127 : memref<1x128xi32, #tpu.memory_space<vmem>> -> memref<128xi32, #tpu.memory_space<vmem>>
    %dma_start3A_129 = arith.constant 0 : i32
    %dma_start3A_130 = arith.constant 0 : i32
    %dma_start3A_131 = tpu.memref_slice %arg3[%dma_start3A_129, %dma_start3A_130] : memref<1000000x64xbf16, #tpu.memory_space<hbm>> -> memref<1000000x64xbf16, #tpu.memory_space<hbm>>
    tpu.enqueue_indirect_dma source(%dma_start3A_131 : memref<1000000x64xbf16, #tpu.memory_space<hbm>>) target(%dma_start3A_125 : memref<128x64xbf16, #tpu.memory_space<vmem>>) offsets(%dma_start3A_128 : memref<128xi32, #tpu.memory_space<vmem>>) semaphore(%arg12 : memref<!tpu.dma_semaphore, #tpu.memory_space<semaphore_mem>>)
    %dma_start3A_132 = arith.constant 13 : i32
    %dma_start3A_133 = arith.constant 384 : i32
    %dma_start3A_134 = arith.constant 0 : i32
    %dma_start3A_135 = tpu.memref_slice %arg8[%dma_start3A_133, %dma_start3A_134] : memref<640x64xbf16, #tpu.memory_space<vmem>> -> memref<128x64xbf16, #tpu.memory_space<vmem>>
    %dma_start3A_136 = arith.constant 0 : i32
    %dma_start3A_137 = tpu.memref_slice %arg5[%dma_start3A_132, %dma_start3A_136] : memref<200x128xi32, #tpu.memory_space<vmem>> -> memref<1x128xi32, #tpu.memory_space<vmem>>
    %dma_start3A_138 = tpu.memref_squeeze %dma_start3A_137 : memref<1x128xi32, #tpu.memory_space<vmem>> -> memref<128xi32, #tpu.memory_space<vmem>>
    %dma_start3A_139 = arith.constant 0 : i32
    %dma_start3A_140 = arith.constant 0 : i32
    %dma_start3A_141 = tpu.memref_slice %arg3[%dma_start3A_139, %dma_start3A_140] : memref<1000000x64xbf16, #tpu.memory_space<hbm>> -> memref<1000000x64xbf16, #tpu.memory_space<hbm>>
    tpu.enqueue_indirect_dma source(%dma_start3A_141 : memref<1000000x64xbf16, #tpu.memory_space<hbm>>) target(%dma_start3A_135 : memref<128x64xbf16, #tpu.memory_space<vmem>>) offsets(%dma_start3A_138 : memref<128xi32, #tpu.memory_space<vmem>>) semaphore(%arg12 : memref<!tpu.dma_semaphore, #tpu.memory_space<semaphore_mem>>)
    %dma_start3A_142 = arith.constant 14 : i32
    %dma_start3A_143 = arith.constant 512 : i32
    %dma_start3A_144 = arith.constant 0 : i32
    %dma_start3A_145 = tpu.memref_slice %arg8[%dma_start3A_143, %dma_start3A_144] : memref<640x64xbf16, #tpu.memory_space<vmem>> -> memref<128x64xbf16, #tpu.memory_space<vmem>>
    %dma_start3A_146 = arith.constant 0 : i32
    %dma_start3A_147 = tpu.memref_slice %arg5[%dma_start3A_142, %dma_start3A_146] : memref<200x128xi32, #tpu.memory_space<vmem>> -> memref<1x128xi32, #tpu.memory_space<vmem>>
    %dma_start3A_148 = tpu.memref_squeeze %dma_start3A_147 : memref<1x128xi32, #tpu.memory_space<vmem>> -> memref<128xi32, #tpu.memory_space<vmem>>
    %dma_start3A_149 = arith.constant 0 : i32
    %dma_start3A_150 = arith.constant 0 : i32
    %dma_start3A_151 = tpu.memref_slice %arg3[%dma_start3A_149, %dma_start3A_150] : memref<1000000x64xbf16, #tpu.memory_space<hbm>> -> memref<1000000x64xbf16, #tpu.memory_space<hbm>>
    tpu.enqueue_indirect_dma source(%dma_start3A_151 : memref<1000000x64xbf16, #tpu.memory_space<hbm>>) target(%dma_start3A_145 : memref<128x64xbf16, #tpu.memory_space<vmem>>) offsets(%dma_start3A_148 : memref<128xi32, #tpu.memory_space<vmem>>) semaphore(%arg12 : memref<!tpu.dma_semaphore, #tpu.memory_space<semaphore_mem>>)
    %add3A_152 = arith.constant 0 : i32
    %add3A_153 = arith.addi %mul3A_2, %add3A_152 : i32
    %mul3A_154 = arith.constant 128 : i32
    %mul3A_155 = arith.muli %add3A_153, %mul3A_154 : i32
    %dma_wait3A = arith.constant 0 : i32
    %dma_wait3A_156 = tpu.memref_slice %arg4[%mul3A_155, %dma_wait3A] : memref<819200x64xbf16, #tpu.memory_space<hbm>> -> memref<640x64xbf16, #tpu.memory_space<hbm>>
    %dma_wait3A_157 = arith.constant 0 : i32
    %dma_wait3A_158 = tpu.memref_slice %arg4[%mul3A_155, %dma_wait3A_157] : memref<819200x64xbf16, #tpu.memory_space<hbm>> -> memref<640x64xbf16, #tpu.memory_space<hbm>>
    tpu.wait_dma2 semaphore(%arg10 : memref<!tpu.dma_semaphore, #tpu.memory_space<semaphore_mem>>) src(%dma_wait3A_158 : memref<640x64xbf16, #tpu.memory_space<hbm>>) dst(%arg6 : memref<640x64xbf16, #tpu.memory_space<vmem>>)
    %add3A_159 = arith.constant 0 : i32
    %add3A_160 = arith.addi %mul3A_2, %add3A_159 : i32
    %mul3A_161 = arith.constant 128 : i32
    %mul3A_162 = arith.muli %add3A_160, %mul3A_161 : i32
    %dma_start3A_163 = arith.constant 0 : i32
    %dma_start3A_164 = tpu.memref_slice %arg4[%mul3A_162, %dma_start3A_163] : memref<819200x64xbf16, #tpu.memory_space<hbm>> -> memref<640x64xbf16, #tpu.memory_space<hbm>>
    %dma_start3A_165 = arith.constant 0 : i32
    %dma_start3A_166 = tpu.memref_slice %arg4[%mul3A_162, %dma_start3A_165] : memref<819200x64xbf16, #tpu.memory_space<hbm>> -> memref<640x64xbf16, #tpu.memory_space<hbm>>
    tpu.enqueue_dma source(%arg6 : memref<640x64xbf16, #tpu.memory_space<vmem>>) target(%dma_start3A_166 : memref<640x64xbf16, #tpu.memory_space<hbm>>) target_semaphore(%arg14 : memref<!tpu.dma_semaphore, #tpu.memory_space<semaphore_mem>>)
    %dma_start3A_167 = arith.constant 15 : i32
    %dma_start3A_168 = arith.constant 0 : i32
    %dma_start3A_169 = arith.constant 0 : i32
    %dma_start3A_170 = tpu.memref_slice %arg9[%dma_start3A_168, %dma_start3A_169] : memref<640x64xbf16, #tpu.memory_space<vmem>> -> memref<128x64xbf16, #tpu.memory_space<vmem>>
    %dma_start3A_171 = arith.constant 0 : i32
    %dma_start3A_172 = tpu.memref_slice %arg5[%dma_start3A_167, %dma_start3A_171] : memref<200x128xi32, #tpu.memory_space<vmem>> -> memref<1x128xi32, #tpu.memory_space<vmem>>
    %dma_start3A_173 = tpu.memref_squeeze %dma_start3A_172 : memref<1x128xi32, #tpu.memory_space<vmem>> -> memref<128xi32, #tpu.memory_space<vmem>>
    %dma_start3A_174 = arith.constant 0 : i32
    %dma_start3A_175 = arith.constant 0 : i32
    %dma_start3A_176 = tpu.memref_slice %arg3[%dma_start3A_174, %dma_start3A_175] : memref<1000000x64xbf16, #tpu.memory_space<hbm>> -> memref<1000000x64xbf16, #tpu.memory_space<hbm>>
    tpu.enqueue_indirect_dma source(%dma_start3A_176 : memref<1000000x64xbf16, #tpu.memory_space<hbm>>) target(%dma_start3A_170 : memref<128x64xbf16, #tpu.memory_space<vmem>>) offsets(%dma_start3A_173 : memref<128xi32, #tpu.memory_space<vmem>>) semaphore(%arg13 : memref<!tpu.dma_semaphore, #tpu.memory_space<semaphore_mem>>)
    %dma_start3A_177 = arith.constant 16 : i32
    %dma_start3A_178 = arith.constant 128 : i32
    %dma_start3A_179 = arith.constant 0 : i32
    %dma_start3A_180 = tpu.memref_slice %arg9[%dma_start3A_178, %dma_start3A_179] : memref<640x64xbf16, #tpu.memory_space<vmem>> -> memref<128x64xbf16, #tpu.memory_space<vmem>>
    %dma_start3A_181 = arith.constant 0 : i32
    %dma_start3A_182 = tpu.memref_slice %arg5[%dma_start3A_177, %dma_start3A_181] : memref<200x128xi32, #tpu.memory_space<vmem>> -> memref<1x128xi32, #tpu.memory_space<vmem>>
    %dma_start3A_183 = tpu.memref_squeeze %dma_start3A_182 : memref<1x128xi32, #tpu.memory_space<vmem>> -> memref<128xi32, #tpu.memory_space<vmem>>
    %dma_start3A_184 = arith.constant 0 : i32
    %dma_start3A_185 = arith.constant 0 : i32
    %dma_start3A_186 = tpu.memref_slice %arg3[%dma_start3A_184, %dma_start3A_185] : memref<1000000x64xbf16, #tpu.memory_space<hbm>> -> memref<1000000x64xbf16, #tpu.memory_space<hbm>>
    tpu.enqueue_indirect_dma source(%dma_start3A_186 : memref<1000000x64xbf16, #tpu.memory_space<hbm>>) target(%dma_start3A_180 : memref<128x64xbf16, #tpu.memory_space<vmem>>) offsets(%dma_start3A_183 : memref<128xi32, #tpu.memory_space<vmem>>) semaphore(%arg13 : memref<!tpu.dma_semaphore, #tpu.memory_space<semaphore_mem>>)
    %dma_start3A_187 = arith.constant 17 : i32
    %dma_start3A_188 = arith.constant 256 : i32
    %dma_start3A_189 = arith.constant 0 : i32
    %dma_start3A_190 = tpu.memref_slice %arg9[%dma_start3A_188, %dma_start3A_189] : memref<640x64xbf16, #tpu.memory_space<vmem>> -> memref<128x64xbf16, #tpu.memory_space<vmem>>
    %dma_start3A_191 = arith.constant 0 : i32
    %dma_start3A_192 = tpu.memref_slice %arg5[%dma_start3A_187, %dma_start3A_191] : memref<200x128xi32, #tpu.memory_space<vmem>> -> memref<1x128xi32, #tpu.memory_space<vmem>>
    %dma_start3A_193 = tpu.memref_squeeze %dma_start3A_192 : memref<1x128xi32, #tpu.memory_space<vmem>> -> memref<128xi32, #tpu.memory_space<vmem>>
    %dma_start3A_194 = arith.constant 0 : i32
    %dma_start3A_195 = arith.constant 0 : i32
    %dma_start3A_196 = tpu.memref_slice %arg3[%dma_start3A_194, %dma_start3A_195] : memref<1000000x64xbf16, #tpu.memory_space<hbm>> -> memref<1000000x64xbf16, #tpu.memory_space<hbm>>
    tpu.enqueue_indirect_dma source(%dma_start3A_196 : memref<1000000x64xbf16, #tpu.memory_space<hbm>>) target(%dma_start3A_190 : memref<128x64xbf16, #tpu.memory_space<vmem>>) offsets(%dma_start3A_193 : memref<128xi32, #tpu.memory_space<vmem>>) semaphore(%arg13 : memref<!tpu.dma_semaphore, #tpu.memory_space<semaphore_mem>>)
    %dma_start3A_197 = arith.constant 18 : i32
    %dma_start3A_198 = arith.constant 384 : i32
    %dma_start3A_199 = arith.constant 0 : i32
    %dma_start3A_200 = tpu.memref_slice %arg9[%dma_start3A_198, %dma_start3A_199] : memref<640x64xbf16, #tpu.memory_space<vmem>> -> memref<128x64xbf16, #tpu.memory_space<vmem>>
    %dma_start3A_201 = arith.constant 0 : i32
    %dma_start3A_202 = tpu.memref_slice %arg5[%dma_start3A_197, %dma_start3A_201] : memref<200x128xi32, #tpu.memory_space<vmem>> -> memref<1x128xi32, #tpu.memory_space<vmem>>
    %dma_start3A_203 = tpu.memref_squeeze %dma_start3A_202 : memref<1x128xi32, #tpu.memory_space<vmem>> -> memref<128xi32, #tpu.memory_space<vmem>>
    %dma_start3A_204 = arith.constant 0 : i32
    %dma_start3A_205 = arith.constant 0 : i32
    %dma_start3A_206 = tpu.memref_slice %arg3[%dma_start3A_204, %dma_start3A_205] : memref<1000000x64xbf16, #tpu.memory_space<hbm>> -> memref<1000000x64xbf16, #tpu.memory_space<hbm>>
    tpu.enqueue_indirect_dma source(%dma_start3A_206 : memref<1000000x64xbf16, #tpu.memory_space<hbm>>) target(%dma_start3A_200 : memref<128x64xbf16, #tpu.memory_space<vmem>>) offsets(%dma_start3A_203 : memref<128xi32, #tpu.memory_space<vmem>>) semaphore(%arg13 : memref<!tpu.dma_semaphore, #tpu.memory_space<semaphore_mem>>)
    %dma_start3A_207 = arith.constant 19 : i32
    %dma_start3A_208 = arith.constant 512 : i32
    %dma_start3A_209 = arith.constant 0 : i32
    %dma_start3A_210 = tpu.memref_slice %arg9[%dma_start3A_208, %dma_start3A_209] : memref<640x64xbf16, #tpu.memory_space<vmem>> -> memref<128x64xbf16, #tpu.memory_space<vmem>>
    %dma_start3A_211 = arith.constant 0 : i32
    %dma_start3A_212 = tpu.memref_slice %arg5[%dma_start3A_207, %dma_start3A_211] : memref<200x128xi32, #tpu.memory_space<vmem>> -> memref<1x128xi32, #tpu.memory_space<vmem>>
    %dma_start3A_213 = tpu.memref_squeeze %dma_start3A_212 : memref<1x128xi32, #tpu.memory_space<vmem>> -> memref<128xi32, #tpu.memory_space<vmem>>
    %dma_start3A_214 = arith.constant 0 : i32
    %dma_start3A_215 = arith.constant 0 : i32
    %dma_start3A_216 = tpu.memref_slice %arg3[%dma_start3A_214, %dma_start3A_215] : memref<1000000x64xbf16, #tpu.memory_space<hbm>> -> memref<1000000x64xbf16, #tpu.memory_space<hbm>>
    tpu.enqueue_indirect_dma source(%dma_start3A_216 : memref<1000000x64xbf16, #tpu.memory_space<hbm>>) target(%dma_start3A_210 : memref<128x64xbf16, #tpu.memory_space<vmem>>) offsets(%dma_start3A_213 : memref<128xi32, #tpu.memory_space<vmem>>) semaphore(%arg13 : memref<!tpu.dma_semaphore, #tpu.memory_space<semaphore_mem>>)
    %add3A_217 = arith.constant 5 : i32
    %add3A_218 = arith.addi %mul3A_2, %add3A_217 : i32
    %mul3A_219 = arith.constant 128 : i32
    %mul3A_220 = arith.muli %add3A_218, %mul3A_219 : i32
    %dma_wait3A_221 = arith.constant 0 : i32
    %dma_wait3A_222 = tpu.memref_slice %arg4[%mul3A_220, %dma_wait3A_221] : memref<819200x64xbf16, #tpu.memory_space<hbm>> -> memref<640x64xbf16, #tpu.memory_space<hbm>>
    %dma_wait3A_223 = arith.constant 0 : i32
    %dma_wait3A_224 = tpu.memref_slice %arg4[%mul3A_220, %dma_wait3A_223] : memref<819200x64xbf16, #tpu.memory_space<hbm>> -> memref<640x64xbf16, #tpu.memory_space<hbm>>
    tpu.wait_dma2 semaphore(%arg11 : memref<!tpu.dma_semaphore, #tpu.memory_space<semaphore_mem>>) src(%dma_wait3A_224 : memref<640x64xbf16, #tpu.memory_space<hbm>>) dst(%arg7 : memref<640x64xbf16, #tpu.memory_space<vmem>>)
    %add3A_225 = arith.constant 5 : i32
    %add3A_226 = arith.addi %mul3A_2, %add3A_225 : i32
    %mul3A_227 = arith.constant 128 : i32
    %mul3A_228 = arith.muli %add3A_226, %mul3A_227 : i32
    %dma_start3A_229 = arith.constant 0 : i32
    %dma_start3A_230 = tpu.memref_slice %arg4[%mul3A_228, %dma_start3A_229] : memref<819200x64xbf16, #tpu.memory_space<hbm>> -> memref<640x64xbf16, #tpu.memory_space<hbm>>
    %dma_start3A_231 = arith.constant 0 : i32
    %dma_start3A_232 = tpu.memref_slice %arg4[%mul3A_228, %dma_start3A_231] : memref<819200x64xbf16, #tpu.memory_space<hbm>> -> memref<640x64xbf16, #tpu.memory_space<hbm>>
    tpu.enqueue_dma source(%arg7 : memref<640x64xbf16, #tpu.memory_space<vmem>>) target(%dma_start3A_232 : memref<640x64xbf16, #tpu.memory_space<hbm>>) target_semaphore(%arg15 : memref<!tpu.dma_semaphore, #tpu.memory_space<semaphore_mem>>)
    %scan3A = arith.constant 0 : i32
    %scan3A_233 = arith.constant 0 : i32
    %scan3A_234 = arith.constant 9 : i32
    %scan3A_235 = arith.addi %scan3A_233, %scan3A_234 : i32
    %scan3A_236 = arith.constant 1 : i32
    scf.for %scan3A_302 = %scan3A_233 to %scan3A_235 step %scan3A_236  : i32 {
      %mul3A_303 = arith.constant 4 : i32
      %mul3A_304 = arith.muli %scan3A_302, %mul3A_303 : i32
      %add3A_305 = arith.constant 2 : i32
      %add3A_306 = arith.addi %add3A_305, %mul3A_304 : i32
      %add3A_307 = arith.constant 0 : i32
      %add3A_308 = arith.addi %add3A_306, %add3A_307 : i32
      %sub3A = arith.constant 2 : i32
      %sub3A_309 = arith.subi %add3A_308, %sub3A : i32
      %mul3A_310 = arith.constant 5 : i32
      %mul3A_311 = arith.muli %sub3A_309, %mul3A_310 : i32
      %add3A_312 = arith.addi %mul3A_2, %mul3A_311 : i32
      %mul3A_313 = arith.constant 128 : i32
      %mul3A_314 = arith.muli %add3A_312, %mul3A_313 : i32
      %dma_wait3A_315 = arith.constant 0 : i32
      %dma_wait3A_316 = tpu.memref_slice %arg4[%mul3A_314, %dma_wait3A_315] : memref<819200x64xbf16, #tpu.memory_space<hbm>> -> memref<640x64xbf16, #tpu.memory_space<hbm>>
      %dma_wait3A_317 = arith.constant 0 : i32
      %dma_wait3A_318 = tpu.memref_slice %arg4[%mul3A_314, %dma_wait3A_317] : memref<819200x64xbf16, #tpu.memory_space<hbm>> -> memref<640x64xbf16, #tpu.memory_space<hbm>>
      tpu.wait_dma2 semaphore(%arg14 : memref<!tpu.dma_semaphore, #tpu.memory_space<semaphore_mem>>) src(%arg6 : memref<640x64xbf16, #tpu.memory_space<vmem>>) dst(%dma_wait3A_318 : memref<640x64xbf16, #tpu.memory_space<hbm>>)
      %add3A_319 = arith.constant 2 : i32
      %add3A_320 = arith.addi %add3A_308, %add3A_319 : i32
      %mul3A_321 = arith.constant 5 : i32
      %mul3A_322 = arith.muli %add3A_320, %mul3A_321 : i32
      %add3A_323 = arith.constant 0 : i32
      %add3A_324 = arith.addi %mul3A_322, %add3A_323 : i32
      %dma_start3A_325 = arith.constant 0 : i32
      %dma_start3A_326 = arith.constant 0 : i32
      %dma_start3A_327 = tpu.memref_slice %arg6[%dma_start3A_325, %dma_start3A_326] : memref<640x64xbf16, #tpu.memory_space<vmem>> -> memref<128x64xbf16, #tpu.memory_space<vmem>>
      %dma_start3A_328 = arith.constant 0 : i32
      %dma_start3A_329 = tpu.memref_slice %arg5[%add3A_324, %dma_start3A_328] : memref<200x128xi32, #tpu.memory_space<vmem>> -> memref<1x128xi32, #tpu.memory_space<vmem>>
      %dma_start3A_330 = tpu.memref_squeeze %dma_start3A_329 : memref<1x128xi32, #tpu.memory_space<vmem>> -> memref<128xi32, #tpu.memory_space<vmem>>
      %dma_start3A_331 = arith.constant 0 : i32
      %dma_start3A_332 = arith.constant 0 : i32
      %dma_start3A_333 = tpu.memref_slice %arg3[%dma_start3A_331, %dma_start3A_332] : memref<1000000x64xbf16, #tpu.memory_space<hbm>> -> memref<1000000x64xbf16, #tpu.memory_space<hbm>>
      tpu.enqueue_indirect_dma source(%dma_start3A_333 : memref<1000000x64xbf16, #tpu.memory_space<hbm>>) target(%dma_start3A_327 : memref<128x64xbf16, #tpu.memory_space<vmem>>) offsets(%dma_start3A_330 : memref<128xi32, #tpu.memory_space<vmem>>) semaphore(%arg10 : memref<!tpu.dma_semaphore, #tpu.memory_space<semaphore_mem>>)
      %mul3A_334 = arith.constant 5 : i32
      %mul3A_335 = arith.muli %add3A_320, %mul3A_334 : i32
      %add3A_336 = arith.constant 1 : i32
      %add3A_337 = arith.addi %mul3A_335, %add3A_336 : i32
      %dma_start3A_338 = arith.constant 128 : i32
      %dma_start3A_339 = arith.constant 0 : i32
      %dma_start3A_340 = tpu.memref_slice %arg6[%dma_start3A_338, %dma_start3A_339] : memref<640x64xbf16, #tpu.memory_space<vmem>> -> memref<128x64xbf16, #tpu.memory_space<vmem>>
      %dma_start3A_341 = arith.constant 0 : i32
      %dma_start3A_342 = tpu.memref_slice %arg5[%add3A_337, %dma_start3A_341] : memref<200x128xi32, #tpu.memory_space<vmem>> -> memref<1x128xi32, #tpu.memory_space<vmem>>
      %dma_start3A_343 = tpu.memref_squeeze %dma_start3A_342 : memref<1x128xi32, #tpu.memory_space<vmem>> -> memref<128xi32, #tpu.memory_space<vmem>>
      %dma_start3A_344 = arith.constant 0 : i32
      %dma_start3A_345 = arith.constant 0 : i32
      %dma_start3A_346 = tpu.memref_slice %arg3[%dma_start3A_344, %dma_start3A_345] : memref<1000000x64xbf16, #tpu.memory_space<hbm>> -> memref<1000000x64xbf16, #tpu.memory_space<hbm>>
      tpu.enqueue_indirect_dma source(%dma_start3A_346 : memref<1000000x64xbf16, #tpu.memory_space<hbm>>) target(%dma_start3A_340 : memref<128x64xbf16, #tpu.memory_space<vmem>>) offsets(%dma_start3A_343 : memref<128xi32, #tpu.memory_space<vmem>>) semaphore(%arg10 : memref<!tpu.dma_semaphore, #tpu.memory_space<semaphore_mem>>)
      %mul3A_347 = arith.constant 5 : i32
      %mul3A_348 = arith.muli %add3A_320, %mul3A_347 : i32
      %add3A_349 = arith.constant 2 : i32
      %add3A_350 = arith.addi %mul3A_348, %add3A_349 : i32
      %dma_start3A_351 = arith.constant 256 : i32
      %dma_start3A_352 = arith.constant 0 : i32
      %dma_start3A_353 = tpu.memref_slice %arg6[%dma_start3A_351, %dma_start3A_352] : memref<640x64xbf16, #tpu.memory_space<vmem>> -> memref<128x64xbf16, #tpu.memory_space<vmem>>
      %dma_start3A_354 = arith.constant 0 : i32
      %dma_start3A_355 = tpu.memref_slice %arg5[%add3A_350, %dma_start3A_354] : memref<200x128xi32, #tpu.memory_space<vmem>> -> memref<1x128xi32, #tpu.memory_space<vmem>>
      %dma_start3A_356 = tpu.memref_squeeze %dma_start3A_355 : memref<1x128xi32, #tpu.memory_space<vmem>> -> memref<128xi32, #tpu.memory_space<vmem>>
      %dma_start3A_357 = arith.constant 0 : i32
      %dma_start3A_358 = arith.constant 0 : i32
      %dma_start3A_359 = tpu.memref_slice %arg3[%dma_start3A_357, %dma_start3A_358] : memref<1000000x64xbf16, #tpu.memory_space<hbm>> -> memref<1000000x64xbf16, #tpu.memory_space<hbm>>
      tpu.enqueue_indirect_dma source(%dma_start3A_359 : memref<1000000x64xbf16, #tpu.memory_space<hbm>>) target(%dma_start3A_353 : memref<128x64xbf16, #tpu.memory_space<vmem>>) offsets(%dma_start3A_356 : memref<128xi32, #tpu.memory_space<vmem>>) semaphore(%arg10 : memref<!tpu.dma_semaphore, #tpu.memory_space<semaphore_mem>>)
      %mul3A_360 = arith.constant 5 : i32
      %mul3A_361 = arith.muli %add3A_320, %mul3A_360 : i32
      %add3A_362 = arith.constant 3 : i32
      %add3A_363 = arith.addi %mul3A_361, %add3A_362 : i32
      %dma_start3A_364 = arith.constant 384 : i32
      %dma_start3A_365 = arith.constant 0 : i32
      %dma_start3A_366 = tpu.memref_slice %arg6[%dma_start3A_364, %dma_start3A_365] : memref<640x64xbf16, #tpu.memory_space<vmem>> -> memref<128x64xbf16, #tpu.memory_space<vmem>>
      %dma_start3A_367 = arith.constant 0 : i32
      %dma_start3A_368 = tpu.memref_slice %arg5[%add3A_363, %dma_start3A_367] : memref<200x128xi32, #tpu.memory_space<vmem>> -> memref<1x128xi32, #tpu.memory_space<vmem>>
      %dma_start3A_369 = tpu.memref_squeeze %dma_start3A_368 : memref<1x128xi32, #tpu.memory_space<vmem>> -> memref<128xi32, #tpu.memory_space<vmem>>
      %dma_start3A_370 = arith.constant 0 : i32
      %dma_start3A_371 = arith.constant 0 : i32
      %dma_start3A_372 = tpu.memref_slice %arg3[%dma_start3A_370, %dma_start3A_371] : memref<1000000x64xbf16, #tpu.memory_space<hbm>> -> memref<1000000x64xbf16, #tpu.memory_space<hbm>>
      tpu.enqueue_indirect_dma source(%dma_start3A_372 : memref<1000000x64xbf16, #tpu.memory_space<hbm>>) target(%dma_start3A_366 : memref<128x64xbf16, #tpu.memory_space<vmem>>) offsets(%dma_start3A_369 : memref<128xi32, #tpu.memory_space<vmem>>) semaphore(%arg10 : memref<!tpu.dma_semaphore, #tpu.memory_space<semaphore_mem>>)
      %mul3A_373 = arith.constant 5 : i32
      %mul3A_374 = arith.muli %add3A_320, %mul3A_373 : i32
      %add3A_375 = arith.constant 4 : i32
      %add3A_376 = arith.addi %mul3A_374, %add3A_375 : i32
      %dma_start3A_377 = arith.constant 512 : i32
      %dma_start3A_378 = arith.constant 0 : i32
      %dma_start3A_379 = tpu.memref_slice %arg6[%dma_start3A_377, %dma_start3A_378] : memref<640x64xbf16, #tpu.memory_space<vmem>> -> memref<128x64xbf16, #tpu.memory_space<vmem>>
      %dma_start3A_380 = arith.constant 0 : i32
      %dma_start3A_381 = tpu.memref_slice %arg5[%add3A_376, %dma_start3A_380] : memref<200x128xi32, #tpu.memory_space<vmem>> -> memref<1x128xi32, #tpu.memory_space<vmem>>
      %dma_start3A_382 = tpu.memref_squeeze %dma_start3A_381 : memref<1x128xi32, #tpu.memory_space<vmem>> -> memref<128xi32, #tpu.memory_space<vmem>>
      %dma_start3A_383 = arith.constant 0 : i32
      %dma_start3A_384 = arith.constant 0 : i32
      %dma_start3A_385 = tpu.memref_slice %arg3[%dma_start3A_383, %dma_start3A_384] : memref<1000000x64xbf16, #tpu.memory_space<hbm>> -> memref<1000000x64xbf16, #tpu.memory_space<hbm>>
      tpu.enqueue_indirect_dma source(%dma_start3A_385 : memref<1000000x64xbf16, #tpu.memory_space<hbm>>) target(%dma_start3A_379 : memref<128x64xbf16, #tpu.memory_space<vmem>>) offsets(%dma_start3A_382 : memref<128xi32, #tpu.memory_space<vmem>>) semaphore(%arg10 : memref<!tpu.dma_semaphore, #tpu.memory_space<semaphore_mem>>)
      %mul3A_386 = arith.constant 5 : i32
      %mul3A_387 = arith.muli %add3A_308, %mul3A_386 : i32
      %add3A_388 = arith.addi %mul3A_2, %mul3A_387 : i32
      %mul3A_389 = arith.constant 128 : i32
      %mul3A_390 = arith.muli %add3A_388, %mul3A_389 : i32
      %dma_wait3A_391 = arith.constant 0 : i32
      %dma_wait3A_392 = tpu.memref_slice %arg4[%mul3A_390, %dma_wait3A_391] : memref<819200x64xbf16, #tpu.memory_space<hbm>> -> memref<640x64xbf16, #tpu.memory_space<hbm>>
      %dma_wait3A_393 = arith.constant 0 : i32
      %dma_wait3A_394 = tpu.memref_slice %arg4[%mul3A_390, %dma_wait3A_393] : memref<819200x64xbf16, #tpu.memory_space<hbm>> -> memref<640x64xbf16, #tpu.memory_space<hbm>>
      tpu.wait_dma2 semaphore(%arg12 : memref<!tpu.dma_semaphore, #tpu.memory_space<semaphore_mem>>) src(%dma_wait3A_394 : memref<640x64xbf16, #tpu.memory_space<hbm>>) dst(%arg8 : memref<640x64xbf16, #tpu.memory_space<vmem>>)
      %mul3A_395 = arith.constant 5 : i32
      %mul3A_396 = arith.muli %add3A_308, %mul3A_395 : i32
      %add3A_397 = arith.addi %mul3A_2, %mul3A_396 : i32
      %mul3A_398 = arith.constant 128 : i32
      %mul3A_399 = arith.muli %add3A_397, %mul3A_398 : i32
      %dma_start3A_400 = arith.constant 0 : i32
      %dma_start3A_401 = tpu.memref_slice %arg4[%mul3A_399, %dma_start3A_400] : memref<819200x64xbf16, #tpu.memory_space<hbm>> -> memref<640x64xbf16, #tpu.memory_space<hbm>>
      %dma_start3A_402 = arith.constant 0 : i32
      %dma_start3A_403 = tpu.memref_slice %arg4[%mul3A_399, %dma_start3A_402] : memref<819200x64xbf16, #tpu.memory_space<hbm>> -> memref<640x64xbf16, #tpu.memory_space<hbm>>
      tpu.enqueue_dma source(%arg8 : memref<640x64xbf16, #tpu.memory_space<vmem>>) target(%dma_start3A_403 : memref<640x64xbf16, #tpu.memory_space<hbm>>) target_semaphore(%arg16 : memref<!tpu.dma_semaphore, #tpu.memory_space<semaphore_mem>>)
      %add3A_404 = arith.constant 1 : i32
      %add3A_405 = arith.addi %add3A_306, %add3A_404 : i32
      %sub3A_406 = arith.constant 2 : i32
      %sub3A_407 = arith.subi %add3A_405, %sub3A_406 : i32
      %mul3A_408 = arith.constant 5 : i32
      %mul3A_409 = arith.muli %sub3A_407, %mul3A_408 : i32
      %add3A_410 = arith.addi %mul3A_2, %mul3A_409 : i32
      %mul3A_411 = arith.constant 128 : i32
      %mul3A_412 = arith.muli %add3A_410, %mul3A_411 : i32
      %dma_wait3A_413 = arith.constant 0 : i32
      %dma_wait3A_414 = tpu.memref_slice %arg4[%mul3A_412, %dma_wait3A_413] : memref<819200x64xbf16, #tpu.memory_space<hbm>> -> memref<640x64xbf16, #tpu.memory_space<hbm>>
      %dma_wait3A_415 = arith.constant 0 : i32
      %dma_wait3A_416 = tpu.memref_slice %arg4[%mul3A_412, %dma_wait3A_415] : memref<819200x64xbf16, #tpu.memory_space<hbm>> -> memref<640x64xbf16, #tpu.memory_space<hbm>>
      tpu.wait_dma2 semaphore(%arg15 : memref<!tpu.dma_semaphore, #tpu.memory_space<semaphore_mem>>) src(%arg7 : memref<640x64xbf16, #tpu.memory_space<vmem>>) dst(%dma_wait3A_416 : memref<640x64xbf16, #tpu.memory_space<hbm>>)
      %add3A_417 = arith.constant 2 : i32
      %add3A_418 = arith.addi %add3A_405, %add3A_417 : i32
      %mul3A_419 = arith.constant 5 : i32
      %mul3A_420 = arith.muli %add3A_418, %mul3A_419 : i32
      %add3A_421 = arith.constant 0 : i32
      %add3A_422 = arith.addi %mul3A_420, %add3A_421 : i32
      %dma_start3A_423 = arith.constant 0 : i32
      %dma_start3A_424 = arith.constant 0 : i32
      %dma_start3A_425 = tpu.memref_slice %arg7[%dma_start3A_423, %dma_start3A_424] : memref<640x64xbf16, #tpu.memory_space<vmem>> -> memref<128x64xbf16, #tpu.memory_space<vmem>>
      %dma_start3A_426 = arith.constant 0 : i32
      %dma_start3A_427 = tpu.memref_slice %arg5[%add3A_422, %dma_start3A_426] : memref<200x128xi32, #tpu.memory_space<vmem>> -> memref<1x128xi32, #tpu.memory_space<vmem>>
      %dma_start3A_428 = tpu.memref_squeeze %dma_start3A_427 : memref<1x128xi32, #tpu.memory_space<vmem>> -> memref<128xi32, #tpu.memory_space<vmem>>
      %dma_start3A_429 = arith.constant 0 : i32
      %dma_start3A_430 = arith.constant 0 : i32
      %dma_start3A_431 = tpu.memref_slice %arg3[%dma_start3A_429, %dma_start3A_430] : memref<1000000x64xbf16, #tpu.memory_space<hbm>> -> memref<1000000x64xbf16, #tpu.memory_space<hbm>>
      tpu.enqueue_indirect_dma source(%dma_start3A_431 : memref<1000000x64xbf16, #tpu.memory_space<hbm>>) target(%dma_start3A_425 : memref<128x64xbf16, #tpu.memory_space<vmem>>) offsets(%dma_start3A_428 : memref<128xi32, #tpu.memory_space<vmem>>) semaphore(%arg11 : memref<!tpu.dma_semaphore, #tpu.memory_space<semaphore_mem>>)
      %mul3A_432 = arith.constant 5 : i32
      %mul3A_433 = arith.muli %add3A_418, %mul3A_432 : i32
      %add3A_434 = arith.constant 1 : i32
      %add3A_435 = arith.addi %mul3A_433, %add3A_434 : i32
      %dma_start3A_436 = arith.constant 128 : i32
      %dma_start3A_437 = arith.constant 0 : i32
      %dma_start3A_438 = tpu.memref_slice %arg7[%dma_start3A_436, %dma_start3A_437] : memref<640x64xbf16, #tpu.memory_space<vmem>> -> memref<128x64xbf16, #tpu.memory_space<vmem>>
      %dma_start3A_439 = arith.constant 0 : i32
      %dma_start3A_440 = tpu.memref_slice %arg5[%add3A_435, %dma_start3A_439] : memref<200x128xi32, #tpu.memory_space<vmem>> -> memref<1x128xi32, #tpu.memory_space<vmem>>
      %dma_start3A_441 = tpu.memref_squeeze %dma_start3A_440 : memref<1x128xi32, #tpu.memory_space<vmem>> -> memref<128xi32, #tpu.memory_space<vmem>>
      %dma_start3A_442 = arith.constant 0 : i32
      %dma_start3A_443 = arith.constant 0 : i32
      %dma_start3A_444 = tpu.memref_slice %arg3[%dma_start3A_442, %dma_start3A_443] : memref<1000000x64xbf16, #tpu.memory_space<hbm>> -> memref<1000000x64xbf16, #tpu.memory_space<hbm>>
      tpu.enqueue_indirect_dma source(%dma_start3A_444 : memref<1000000x64xbf16, #tpu.memory_space<hbm>>) target(%dma_start3A_438 : memref<128x64xbf16, #tpu.memory_space<vmem>>) offsets(%dma_start3A_441 : memref<128xi32, #tpu.memory_space<vmem>>) semaphore(%arg11 : memref<!tpu.dma_semaphore, #tpu.memory_space<semaphore_mem>>)
      %mul3A_445 = arith.constant 5 : i32
      %mul3A_446 = arith.muli %add3A_418, %mul3A_445 : i32
      %add3A_447 = arith.constant 2 : i32
      %add3A_448 = arith.addi %mul3A_446, %add3A_447 : i32
      %dma_start3A_449 = arith.constant 256 : i32
      %dma_start3A_450 = arith.constant 0 : i32
      %dma_start3A_451 = tpu.memref_slice %arg7[%dma_start3A_449, %dma_start3A_450] : memref<640x64xbf16, #tpu.memory_space<vmem>> -> memref<128x64xbf16, #tpu.memory_space<vmem>>
      %dma_start3A_452 = arith.constant 0 : i32
      %dma_start3A_453 = tpu.memref_slice %arg5[%add3A_448, %dma_start3A_452] : memref<200x128xi32, #tpu.memory_space<vmem>> -> memref<1x128xi32, #tpu.memory_space<vmem>>
      %dma_start3A_454 = tpu.memref_squeeze %dma_start3A_453 : memref<1x128xi32, #tpu.memory_space<vmem>> -> memref<128xi32, #tpu.memory_space<vmem>>
      %dma_start3A_455 = arith.constant 0 : i32
      %dma_start3A_456 = arith.constant 0 : i32
      %dma_start3A_457 = tpu.memref_slice %arg3[%dma_start3A_455, %dma_start3A_456] : memref<1000000x64xbf16, #tpu.memory_space<hbm>> -> memref<1000000x64xbf16, #tpu.memory_space<hbm>>
      tpu.enqueue_indirect_dma source(%dma_start3A_457 : memref<1000000x64xbf16, #tpu.memory_space<hbm>>) target(%dma_start3A_451 : memref<128x64xbf16, #tpu.memory_space<vmem>>) offsets(%dma_start3A_454 : memref<128xi32, #tpu.memory_space<vmem>>) semaphore(%arg11 : memref<!tpu.dma_semaphore, #tpu.memory_space<semaphore_mem>>)
      %mul3A_458 = arith.constant 5 : i32
      %mul3A_459 = arith.muli %add3A_418, %mul3A_458 : i32
      %add3A_460 = arith.constant 3 : i32
      %add3A_461 = arith.addi %mul3A_459, %add3A_460 : i32
      %dma_start3A_462 = arith.constant 384 : i32
      %dma_start3A_463 = arith.constant 0 : i32
      %dma_start3A_464 = tpu.memref_slice %arg7[%dma_start3A_462, %dma_start3A_463] : memref<640x64xbf16, #tpu.memory_space<vmem>> -> memref<128x64xbf16, #tpu.memory_space<vmem>>
      %dma_start3A_465 = arith.constant 0 : i32
      %dma_start3A_466 = tpu.memref_slice %arg5[%add3A_461, %dma_start3A_465] : memref<200x128xi32, #tpu.memory_space<vmem>> -> memref<1x128xi32, #tpu.memory_space<vmem>>
      %dma_start3A_467 = tpu.memref_squeeze %dma_start3A_466 : memref<1x128xi32, #tpu.memory_space<vmem>> -> memref<128xi32, #tpu.memory_space<vmem>>
      %dma_start3A_468 = arith.constant 0 : i32
      %dma_start3A_469 = arith.constant 0 : i32
      %dma_start3A_470 = tpu.memref_slice %arg3[%dma_start3A_468, %dma_start3A_469] : memref<1000000x64xbf16, #tpu.memory_space<hbm>> -> memref<1000000x64xbf16, #tpu.memory_space<hbm>>
      tpu.enqueue_indirect_dma source(%dma_start3A_470 : memref<1000000x64xbf16, #tpu.memory_space<hbm>>) target(%dma_start3A_464 : memref<128x64xbf16, #tpu.memory_space<vmem>>) offsets(%dma_start3A_467 : memref<128xi32, #tpu.memory_space<vmem>>) semaphore(%arg11 : memref<!tpu.dma_semaphore, #tpu.memory_space<semaphore_mem>>)
      %mul3A_471 = arith.constant 5 : i32
      %mul3A_472 = arith.muli %add3A_418, %mul3A_471 : i32
      %add3A_473 = arith.constant 4 : i32
      %add3A_474 = arith.addi %mul3A_472, %add3A_473 : i32
      %dma_start3A_475 = arith.constant 512 : i32
      %dma_start3A_476 = arith.constant 0 : i32
      %dma_start3A_477 = tpu.memref_slice %arg7[%dma_start3A_475, %dma_start3A_476] : memref<640x64xbf16, #tpu.memory_space<vmem>> -> memref<128x64xbf16, #tpu.memory_space<vmem>>
      %dma_start3A_478 = arith.constant 0 : i32
      %dma_start3A_479 = tpu.memref_slice %arg5[%add3A_474, %dma_start3A_478] : memref<200x128xi32, #tpu.memory_space<vmem>> -> memref<1x128xi32, #tpu.memory_space<vmem>>
      %dma_start3A_480 = tpu.memref_squeeze %dma_start3A_479 : memref<1x128xi32, #tpu.memory_space<vmem>> -> memref<128xi32, #tpu.memory_space<vmem>>
      %dma_start3A_481 = arith.constant 0 : i32
      %dma_start3A_482 = arith.constant 0 : i32
      %dma_start3A_483 = tpu.memref_slice %arg3[%dma_start3A_481, %dma_start3A_482] : memref<1000000x64xbf16, #tpu.memory_space<hbm>> -> memref<1000000x64xbf16, #tpu.memory_space<hbm>>
      tpu.enqueue_indirect_dma source(%dma_start3A_483 : memref<1000000x64xbf16, #tpu.memory_space<hbm>>) target(%dma_start3A_477 : memref<128x64xbf16, #tpu.memory_space<vmem>>) offsets(%dma_start3A_480 : memref<128xi32, #tpu.memory_space<vmem>>) semaphore(%arg11 : memref<!tpu.dma_semaphore, #tpu.memory_space<semaphore_mem>>)
      %mul3A_484 = arith.constant 5 : i32
      %mul3A_485 = arith.muli %add3A_405, %mul3A_484 : i32
      %add3A_486 = arith.addi %mul3A_2, %mul3A_485 : i32
      %mul3A_487 = arith.constant 128 : i32
      %mul3A_488 = arith.muli %add3A_486, %mul3A_487 : i32
      %dma_wait3A_489 = arith.constant 0 : i32
      %dma_wait3A_490 = tpu.memref_slice %arg4[%mul3A_488, %dma_wait3A_489] : memref<819200x64xbf16, #tpu.memory_space<hbm>> -> memref<640x64xbf16, #tpu.memory_space<hbm>>
      %dma_wait3A_491 = arith.constant 0 : i32
      %dma_wait3A_492 = tpu.memref_slice %arg4[%mul3A_488, %dma_wait3A_491] : memref<819200x64xbf16, #tpu.memory_space<hbm>> -> memref<640x64xbf16, #tpu.memory_space<hbm>>
      tpu.wait_dma2 semaphore(%arg13 : memref<!tpu.dma_semaphore, #tpu.memory_space<semaphore_mem>>) src(%dma_wait3A_492 : memref<640x64xbf16, #tpu.memory_space<hbm>>) dst(%arg9 : memref<640x64xbf16, #tpu.memory_space<vmem>>)
      %mul3A_493 = arith.constant 5 : i32
      %mul3A_494 = arith.muli %add3A_405, %mul3A_493 : i32
      %add3A_495 = arith.addi %mul3A_2, %mul3A_494 : i32
      %mul3A_496 = arith.constant 128 : i32
      %mul3A_497 = arith.muli %add3A_495, %mul3A_496 : i32
      %dma_start3A_498 = arith.constant 0 : i32
      %dma_start3A_499 = tpu.memref_slice %arg4[%mul3A_497, %dma_start3A_498] : memref<819200x64xbf16, #tpu.memory_space<hbm>> -> memref<640x64xbf16, #tpu.memory_space<hbm>>
      %dma_start3A_500 = arith.constant 0 : i32
      %dma_start3A_501 = tpu.memref_slice %arg4[%mul3A_497, %dma_start3A_500] : memref<819200x64xbf16, #tpu.memory_space<hbm>> -> memref<640x64xbf16, #tpu.memory_space<hbm>>
      tpu.enqueue_dma source(%arg9 : memref<640x64xbf16, #tpu.memory_space<vmem>>) target(%dma_start3A_501 : memref<640x64xbf16, #tpu.memory_space<hbm>>) target_semaphore(%arg17 : memref<!tpu.dma_semaphore, #tpu.memory_space<semaphore_mem>>)
      %add3A_502 = arith.constant 2 : i32
      %add3A_503 = arith.addi %add3A_306, %add3A_502 : i32
      %sub3A_504 = arith.constant 2 : i32
      %sub3A_505 = arith.subi %add3A_503, %sub3A_504 : i32
      %mul3A_506 = arith.constant 5 : i32
      %mul3A_507 = arith.muli %sub3A_505, %mul3A_506 : i32
      %add3A_508 = arith.addi %mul3A_2, %mul3A_507 : i32
      %mul3A_509 = arith.constant 128 : i32
      %mul3A_510 = arith.muli %add3A_508, %mul3A_509 : i32
      %dma_wait3A_511 = arith.constant 0 : i32
      %dma_wait3A_512 = tpu.memref_slice %arg4[%mul3A_510, %dma_wait3A_511] : memref<819200x64xbf16, #tpu.memory_space<hbm>> -> memref<640x64xbf16, #tpu.memory_space<hbm>>
      %dma_wait3A_513 = arith.constant 0 : i32
      %dma_wait3A_514 = tpu.memref_slice %arg4[%mul3A_510, %dma_wait3A_513] : memref<819200x64xbf16, #tpu.memory_space<hbm>> -> memref<640x64xbf16, #tpu.memory_space<hbm>>
      tpu.wait_dma2 semaphore(%arg16 : memref<!tpu.dma_semaphore, #tpu.memory_space<semaphore_mem>>) src(%arg8 : memref<640x64xbf16, #tpu.memory_space<vmem>>) dst(%dma_wait3A_514 : memref<640x64xbf16, #tpu.memory_space<hbm>>)
      %add3A_515 = arith.constant 2 : i32
      %add3A_516 = arith.addi %add3A_503, %add3A_515 : i32
      %mul3A_517 = arith.constant 5 : i32
      %mul3A_518 = arith.muli %add3A_516, %mul3A_517 : i32
      %add3A_519 = arith.constant 0 : i32
      %add3A_520 = arith.addi %mul3A_518, %add3A_519 : i32
      %dma_start3A_521 = arith.constant 0 : i32
      %dma_start3A_522 = arith.constant 0 : i32
      %dma_start3A_523 = tpu.memref_slice %arg8[%dma_start3A_521, %dma_start3A_522] : memref<640x64xbf16, #tpu.memory_space<vmem>> -> memref<128x64xbf16, #tpu.memory_space<vmem>>
      %dma_start3A_524 = arith.constant 0 : i32
      %dma_start3A_525 = tpu.memref_slice %arg5[%add3A_520, %dma_start3A_524] : memref<200x128xi32, #tpu.memory_space<vmem>> -> memref<1x128xi32, #tpu.memory_space<vmem>>
      %dma_start3A_526 = tpu.memref_squeeze %dma_start3A_525 : memref<1x128xi32, #tpu.memory_space<vmem>> -> memref<128xi32, #tpu.memory_space<vmem>>
      %dma_start3A_527 = arith.constant 0 : i32
      %dma_start3A_528 = arith.constant 0 : i32
      %dma_start3A_529 = tpu.memref_slice %arg3[%dma_start3A_527, %dma_start3A_528] : memref<1000000x64xbf16, #tpu.memory_space<hbm>> -> memref<1000000x64xbf16, #tpu.memory_space<hbm>>
      tpu.enqueue_indirect_dma source(%dma_start3A_529 : memref<1000000x64xbf16, #tpu.memory_space<hbm>>) target(%dma_start3A_523 : memref<128x64xbf16, #tpu.memory_space<vmem>>) offsets(%dma_start3A_526 : memref<128xi32, #tpu.memory_space<vmem>>) semaphore(%arg12 : memref<!tpu.dma_semaphore, #tpu.memory_space<semaphore_mem>>)
      %mul3A_530 = arith.constant 5 : i32
      %mul3A_531 = arith.muli %add3A_516, %mul3A_530 : i32
      %add3A_532 = arith.constant 1 : i32
      %add3A_533 = arith.addi %mul3A_531, %add3A_532 : i32
      %dma_start3A_534 = arith.constant 128 : i32
      %dma_start3A_535 = arith.constant 0 : i32
      %dma_start3A_536 = tpu.memref_slice %arg8[%dma_start3A_534, %dma_start3A_535] : memref<640x64xbf16, #tpu.memory_space<vmem>> -> memref<128x64xbf16, #tpu.memory_space<vmem>>
      %dma_start3A_537 = arith.constant 0 : i32
      %dma_start3A_538 = tpu.memref_slice %arg5[%add3A_533, %dma_start3A_537] : memref<200x128xi32, #tpu.memory_space<vmem>> -> memref<1x128xi32, #tpu.memory_space<vmem>>
      %dma_start3A_539 = tpu.memref_squeeze %dma_start3A_538 : memref<1x128xi32, #tpu.memory_space<vmem>> -> memref<128xi32, #tpu.memory_space<vmem>>
      %dma_start3A_540 = arith.constant 0 : i32
      %dma_start3A_541 = arith.constant 0 : i32
      %dma_start3A_542 = tpu.memref_slice %arg3[%dma_start3A_540, %dma_start3A_541] : memref<1000000x64xbf16, #tpu.memory_space<hbm>> -> memref<1000000x64xbf16, #tpu.memory_space<hbm>>
      tpu.enqueue_indirect_dma source(%dma_start3A_542 : memref<1000000x64xbf16, #tpu.memory_space<hbm>>) target(%dma_start3A_536 : memref<128x64xbf16, #tpu.memory_space<vmem>>) offsets(%dma_start3A_539 : memref<128xi32, #tpu.memory_space<vmem>>) semaphore(%arg12 : memref<!tpu.dma_semaphore, #tpu.memory_space<semaphore_mem>>)
      %mul3A_543 = arith.constant 5 : i32
      %mul3A_544 = arith.muli %add3A_516, %mul3A_543 : i32
      %add3A_545 = arith.constant 2 : i32
      %add3A_546 = arith.addi %mul3A_544, %add3A_545 : i32
      %dma_start3A_547 = arith.constant 256 : i32
      %dma_start3A_548 = arith.constant 0 : i32
      %dma_start3A_549 = tpu.memref_slice %arg8[%dma_start3A_547, %dma_start3A_548] : memref<640x64xbf16, #tpu.memory_space<vmem>> -> memref<128x64xbf16, #tpu.memory_space<vmem>>
      %dma_start3A_550 = arith.constant 0 : i32
      %dma_start3A_551 = tpu.memref_slice %arg5[%add3A_546, %dma_start3A_550] : memref<200x128xi32, #tpu.memory_space<vmem>> -> memref<1x128xi32, #tpu.memory_space<vmem>>
      %dma_start3A_552 = tpu.memref_squeeze %dma_start3A_551 : memref<1x128xi32, #tpu.memory_space<vmem>> -> memref<128xi32, #tpu.memory_space<vmem>>
      %dma_start3A_553 = arith.constant 0 : i32
      %dma_start3A_554 = arith.constant 0 : i32
      %dma_start3A_555 = tpu.memref_slice %arg3[%dma_start3A_553, %dma_start3A_554] : memref<1000000x64xbf16, #tpu.memory_space<hbm>> -> memref<1000000x64xbf16, #tpu.memory_space<hbm>>
      tpu.enqueue_indirect_dma source(%dma_start3A_555 : memref<1000000x64xbf16, #tpu.memory_space<hbm>>) target(%dma_start3A_549 : memref<128x64xbf16, #tpu.memory_space<vmem>>) offsets(%dma_start3A_552 : memref<128xi32, #tpu.memory_space<vmem>>) semaphore(%arg12 : memref<!tpu.dma_semaphore, #tpu.memory_space<semaphore_mem>>)
      %mul3A_556 = arith.constant 5 : i32
      %mul3A_557 = arith.muli %add3A_516, %mul3A_556 : i32
      %add3A_558 = arith.constant 3 : i32
      %add3A_559 = arith.addi %mul3A_557, %add3A_558 : i32
      %dma_start3A_560 = arith.constant 384 : i32
      %dma_start3A_561 = arith.constant 0 : i32
      %dma_start3A_562 = tpu.memref_slice %arg8[%dma_start3A_560, %dma_start3A_561] : memref<640x64xbf16, #tpu.memory_space<vmem>> -> memref<128x64xbf16, #tpu.memory_space<vmem>>
      %dma_start3A_563 = arith.constant 0 : i32
      %dma_start3A_564 = tpu.memref_slice %arg5[%add3A_559, %dma_start3A_563] : memref<200x128xi32, #tpu.memory_space<vmem>> -> memref<1x128xi32, #tpu.memory_space<vmem>>
      %dma_start3A_565 = tpu.memref_squeeze %dma_start3A_564 : memref<1x128xi32, #tpu.memory_space<vmem>> -> memref<128xi32, #tpu.memory_space<vmem>>
      %dma_start3A_566 = arith.constant 0 : i32
      %dma_start3A_567 = arith.constant 0 : i32
      %dma_start3A_568 = tpu.memref_slice %arg3[%dma_start3A_566, %dma_start3A_567] : memref<1000000x64xbf16, #tpu.memory_space<hbm>> -> memref<1000000x64xbf16, #tpu.memory_space<hbm>>
      tpu.enqueue_indirect_dma source(%dma_start3A_568 : memref<1000000x64xbf16, #tpu.memory_space<hbm>>) target(%dma_start3A_562 : memref<128x64xbf16, #tpu.memory_space<vmem>>) offsets(%dma_start3A_565 : memref<128xi32, #tpu.memory_space<vmem>>) semaphore(%arg12 : memref<!tpu.dma_semaphore, #tpu.memory_space<semaphore_mem>>)
      %mul3A_569 = arith.constant 5 : i32
      %mul3A_570 = arith.muli %add3A_516, %mul3A_569 : i32
      %add3A_571 = arith.constant 4 : i32
      %add3A_572 = arith.addi %mul3A_570, %add3A_571 : i32
      %dma_start3A_573 = arith.constant 512 : i32
      %dma_start3A_574 = arith.constant 0 : i32
      %dma_start3A_575 = tpu.memref_slice %arg8[%dma_start3A_573, %dma_start3A_574] : memref<640x64xbf16, #tpu.memory_space<vmem>> -> memref<128x64xbf16, #tpu.memory_space<vmem>>
      %dma_start3A_576 = arith.constant 0 : i32
      %dma_start3A_577 = tpu.memref_slice %arg5[%add3A_572, %dma_start3A_576] : memref<200x128xi32, #tpu.memory_space<vmem>> -> memref<1x128xi32, #tpu.memory_space<vmem>>
      %dma_start3A_578 = tpu.memref_squeeze %dma_start3A_577 : memref<1x128xi32, #tpu.memory_space<vmem>> -> memref<128xi32, #tpu.memory_space<vmem>>
      %dma_start3A_579 = arith.constant 0 : i32
      %dma_start3A_580 = arith.constant 0 : i32
      %dma_start3A_581 = tpu.memref_slice %arg3[%dma_start3A_579, %dma_start3A_580] : memref<1000000x64xbf16, #tpu.memory_space<hbm>> -> memref<1000000x64xbf16, #tpu.memory_space<hbm>>
      tpu.enqueue_indirect_dma source(%dma_start3A_581 : memref<1000000x64xbf16, #tpu.memory_space<hbm>>) target(%dma_start3A_575 : memref<128x64xbf16, #tpu.memory_space<vmem>>) offsets(%dma_start3A_578 : memref<128xi32, #tpu.memory_space<vmem>>) semaphore(%arg12 : memref<!tpu.dma_semaphore, #tpu.memory_space<semaphore_mem>>)
      %mul3A_582 = arith.constant 5 : i32
      %mul3A_583 = arith.muli %add3A_503, %mul3A_582 : i32
      %add3A_584 = arith.addi %mul3A_2, %mul3A_583 : i32
      %mul3A_585 = arith.constant 128 : i32
      %mul3A_586 = arith.muli %add3A_584, %mul3A_585 : i32
      %dma_wait3A_587 = arith.constant 0 : i32
      %dma_wait3A_588 = tpu.memref_slice %arg4[%mul3A_586, %dma_wait3A_587] : memref<819200x64xbf16, #tpu.memory_space<hbm>> -> memref<640x64xbf16, #tpu.memory_space<hbm>>
      %dma_wait3A_589 = arith.constant 0 : i32
      %dma_wait3A_590 = tpu.memref_slice %arg4[%mul3A_586, %dma_wait3A_589] : memref<819200x64xbf16, #tpu.memory_space<hbm>> -> memref<640x64xbf16, #tpu.memory_space<hbm>>
      tpu.wait_dma2 semaphore(%arg10 : memref<!tpu.dma_semaphore, #tpu.memory_space<semaphore_mem>>) src(%dma_wait3A_590 : memref<640x64xbf16, #tpu.memory_space<hbm>>) dst(%arg6 : memref<640x64xbf16, #tpu.memory_space<vmem>>)
      %mul3A_591 = arith.constant 5 : i32
      %mul3A_592 = arith.muli %add3A_503, %mul3A_591 : i32
      %add3A_593 = arith.addi %mul3A_2, %mul3A_592 : i32
      %mul3A_594 = arith.constant 128 : i32
      %mul3A_595 = arith.muli %add3A_593, %mul3A_594 : i32
      %dma_start3A_596 = arith.constant 0 : i32
      %dma_start3A_597 = tpu.memref_slice %arg4[%mul3A_595, %dma_start3A_596] : memref<819200x64xbf16, #tpu.memory_space<hbm>> -> memref<640x64xbf16, #tpu.memory_space<hbm>>
      %dma_start3A_598 = arith.constant 0 : i32
      %dma_start3A_599 = tpu.memref_slice %arg4[%mul3A_595, %dma_start3A_598] : memref<819200x64xbf16, #tpu.memory_space<hbm>> -> memref<640x64xbf16, #tpu.memory_space<hbm>>
      tpu.enqueue_dma source(%arg6 : memref<640x64xbf16, #tpu.memory_space<vmem>>) target(%dma_start3A_599 : memref<640x64xbf16, #tpu.memory_space<hbm>>) target_semaphore(%arg14 : memref<!tpu.dma_semaphore, #tpu.memory_space<semaphore_mem>>)
      %add3A_600 = arith.constant 3 : i32
      %add3A_601 = arith.addi %add3A_306, %add3A_600 : i32
      %sub3A_602 = arith.constant 2 : i32
      %sub3A_603 = arith.subi %add3A_601, %sub3A_602 : i32
      %mul3A_604 = arith.constant 5 : i32
      %mul3A_605 = arith.muli %sub3A_603, %mul3A_604 : i32
      %add3A_606 = arith.addi %mul3A_2, %mul3A_605 : i32
      %mul3A_607 = arith.constant 128 : i32
      %mul3A_608 = arith.muli %add3A_606, %mul3A_607 : i32
      %dma_wait3A_609 = arith.constant 0 : i32
      %dma_wait3A_610 = tpu.memref_slice %arg4[%mul3A_608, %dma_wait3A_609] : memref<819200x64xbf16, #tpu.memory_space<hbm>> -> memref<640x64xbf16, #tpu.memory_space<hbm>>
      %dma_wait3A_611 = arith.constant 0 : i32
      %dma_wait3A_612 = tpu.memref_slice %arg4[%mul3A_608, %dma_wait3A_611] : memref<819200x64xbf16, #tpu.memory_space<hbm>> -> memref<640x64xbf16, #tpu.memory_space<hbm>>
      tpu.wait_dma2 semaphore(%arg17 : memref<!tpu.dma_semaphore, #tpu.memory_space<semaphore_mem>>) src(%arg9 : memref<640x64xbf16, #tpu.memory_space<vmem>>) dst(%dma_wait3A_612 : memref<640x64xbf16, #tpu.memory_space<hbm>>)
      %add3A_613 = arith.constant 2 : i32
      %add3A_614 = arith.addi %add3A_601, %add3A_613 : i32
      %mul3A_615 = arith.constant 5 : i32
      %mul3A_616 = arith.muli %add3A_614, %mul3A_615 : i32
      %add3A_617 = arith.constant 0 : i32
      %add3A_618 = arith.addi %mul3A_616, %add3A_617 : i32
      %dma_start3A_619 = arith.constant 0 : i32
      %dma_start3A_620 = arith.constant 0 : i32
      %dma_start3A_621 = tpu.memref_slice %arg9[%dma_start3A_619, %dma_start3A_620] : memref<640x64xbf16, #tpu.memory_space<vmem>> -> memref<128x64xbf16, #tpu.memory_space<vmem>>
      %dma_start3A_622 = arith.constant 0 : i32
      %dma_start3A_623 = tpu.memref_slice %arg5[%add3A_618, %dma_start3A_622] : memref<200x128xi32, #tpu.memory_space<vmem>> -> memref<1x128xi32, #tpu.memory_space<vmem>>
      %dma_start3A_624 = tpu.memref_squeeze %dma_start3A_623 : memref<1x128xi32, #tpu.memory_space<vmem>> -> memref<128xi32, #tpu.memory_space<vmem>>
      %dma_start3A_625 = arith.constant 0 : i32
      %dma_start3A_626 = arith.constant 0 : i32
      %dma_start3A_627 = tpu.memref_slice %arg3[%dma_start3A_625, %dma_start3A_626] : memref<1000000x64xbf16, #tpu.memory_space<hbm>> -> memref<1000000x64xbf16, #tpu.memory_space<hbm>>
      tpu.enqueue_indirect_dma source(%dma_start3A_627 : memref<1000000x64xbf16, #tpu.memory_space<hbm>>) target(%dma_start3A_621 : memref<128x64xbf16, #tpu.memory_space<vmem>>) offsets(%dma_start3A_624 : memref<128xi32, #tpu.memory_space<vmem>>) semaphore(%arg13 : memref<!tpu.dma_semaphore, #tpu.memory_space<semaphore_mem>>)
      %mul3A_628 = arith.constant 5 : i32
      %mul3A_629 = arith.muli %add3A_614, %mul3A_628 : i32
      %add3A_630 = arith.constant 1 : i32
      %add3A_631 = arith.addi %mul3A_629, %add3A_630 : i32
      %dma_start3A_632 = arith.constant 128 : i32
      %dma_start3A_633 = arith.constant 0 : i32
      %dma_start3A_634 = tpu.memref_slice %arg9[%dma_start3A_632, %dma_start3A_633] : memref<640x64xbf16, #tpu.memory_space<vmem>> -> memref<128x64xbf16, #tpu.memory_space<vmem>>
      %dma_start3A_635 = arith.constant 0 : i32
      %dma_start3A_636 = tpu.memref_slice %arg5[%add3A_631, %dma_start3A_635] : memref<200x128xi32, #tpu.memory_space<vmem>> -> memref<1x128xi32, #tpu.memory_space<vmem>>
      %dma_start3A_637 = tpu.memref_squeeze %dma_start3A_636 : memref<1x128xi32, #tpu.memory_space<vmem>> -> memref<128xi32, #tpu.memory_space<vmem>>
      %dma_start3A_638 = arith.constant 0 : i32
      %dma_start3A_639 = arith.constant 0 : i32
      %dma_start3A_640 = tpu.memref_slice %arg3[%dma_start3A_638, %dma_start3A_639] : memref<1000000x64xbf16, #tpu.memory_space<hbm>> -> memref<1000000x64xbf16, #tpu.memory_space<hbm>>
      tpu.enqueue_indirect_dma source(%dma_start3A_640 : memref<1000000x64xbf16, #tpu.memory_space<hbm>>) target(%dma_start3A_634 : memref<128x64xbf16, #tpu.memory_space<vmem>>) offsets(%dma_start3A_637 : memref<128xi32, #tpu.memory_space<vmem>>) semaphore(%arg13 : memref<!tpu.dma_semaphore, #tpu.memory_space<semaphore_mem>>)
      %mul3A_641 = arith.constant 5 : i32
      %mul3A_642 = arith.muli %add3A_614, %mul3A_641 : i32
      %add3A_643 = arith.constant 2 : i32
      %add3A_644 = arith.addi %mul3A_642, %add3A_643 : i32
      %dma_start3A_645 = arith.constant 256 : i32
      %dma_start3A_646 = arith.constant 0 : i32
      %dma_start3A_647 = tpu.memref_slice %arg9[%dma_start3A_645, %dma_start3A_646] : memref<640x64xbf16, #tpu.memory_space<vmem>> -> memref<128x64xbf16, #tpu.memory_space<vmem>>
      %dma_start3A_648 = arith.constant 0 : i32
      %dma_start3A_649 = tpu.memref_slice %arg5[%add3A_644, %dma_start3A_648] : memref<200x128xi32, #tpu.memory_space<vmem>> -> memref<1x128xi32, #tpu.memory_space<vmem>>
      %dma_start3A_650 = tpu.memref_squeeze %dma_start3A_649 : memref<1x128xi32, #tpu.memory_space<vmem>> -> memref<128xi32, #tpu.memory_space<vmem>>
      %dma_start3A_651 = arith.constant 0 : i32
      %dma_start3A_652 = arith.constant 0 : i32
      %dma_start3A_653 = tpu.memref_slice %arg3[%dma_start3A_651, %dma_start3A_652] : memref<1000000x64xbf16, #tpu.memory_space<hbm>> -> memref<1000000x64xbf16, #tpu.memory_space<hbm>>
      tpu.enqueue_indirect_dma source(%dma_start3A_653 : memref<1000000x64xbf16, #tpu.memory_space<hbm>>) target(%dma_start3A_647 : memref<128x64xbf16, #tpu.memory_space<vmem>>) offsets(%dma_start3A_650 : memref<128xi32, #tpu.memory_space<vmem>>) semaphore(%arg13 : memref<!tpu.dma_semaphore, #tpu.memory_space<semaphore_mem>>)
      %mul3A_654 = arith.constant 5 : i32
      %mul3A_655 = arith.muli %add3A_614, %mul3A_654 : i32
      %add3A_656 = arith.constant 3 : i32
      %add3A_657 = arith.addi %mul3A_655, %add3A_656 : i32
      %dma_start3A_658 = arith.constant 384 : i32
      %dma_start3A_659 = arith.constant 0 : i32
      %dma_start3A_660 = tpu.memref_slice %arg9[%dma_start3A_658, %dma_start3A_659] : memref<640x64xbf16, #tpu.memory_space<vmem>> -> memref<128x64xbf16, #tpu.memory_space<vmem>>
      %dma_start3A_661 = arith.constant 0 : i32
      %dma_start3A_662 = tpu.memref_slice %arg5[%add3A_657, %dma_start3A_661] : memref<200x128xi32, #tpu.memory_space<vmem>> -> memref<1x128xi32, #tpu.memory_space<vmem>>
      %dma_start3A_663 = tpu.memref_squeeze %dma_start3A_662 : memref<1x128xi32, #tpu.memory_space<vmem>> -> memref<128xi32, #tpu.memory_space<vmem>>
      %dma_start3A_664 = arith.constant 0 : i32
      %dma_start3A_665 = arith.constant 0 : i32
      %dma_start3A_666 = tpu.memref_slice %arg3[%dma_start3A_664, %dma_start3A_665] : memref<1000000x64xbf16, #tpu.memory_space<hbm>> -> memref<1000000x64xbf16, #tpu.memory_space<hbm>>
      tpu.enqueue_indirect_dma source(%dma_start3A_666 : memref<1000000x64xbf16, #tpu.memory_space<hbm>>) target(%dma_start3A_660 : memref<128x64xbf16, #tpu.memory_space<vmem>>) offsets(%dma_start3A_663 : memref<128xi32, #tpu.memory_space<vmem>>) semaphore(%arg13 : memref<!tpu.dma_semaphore, #tpu.memory_space<semaphore_mem>>)
      %mul3A_667 = arith.constant 5 : i32
      %mul3A_668 = arith.muli %add3A_614, %mul3A_667 : i32
      %add3A_669 = arith.constant 4 : i32
      %add3A_670 = arith.addi %mul3A_668, %add3A_669 : i32
      %dma_start3A_671 = arith.constant 512 : i32
      %dma_start3A_672 = arith.constant 0 : i32
      %dma_start3A_673 = tpu.memref_slice %arg9[%dma_start3A_671, %dma_start3A_672] : memref<640x64xbf16, #tpu.memory_space<vmem>> -> memref<128x64xbf16, #tpu.memory_space<vmem>>
      %dma_start3A_674 = arith.constant 0 : i32
      %dma_start3A_675 = tpu.memref_slice %arg5[%add3A_670, %dma_start3A_674] : memref<200x128xi32, #tpu.memory_space<vmem>> -> memref<1x128xi32, #tpu.memory_space<vmem>>
      %dma_start3A_676 = tpu.memref_squeeze %dma_start3A_675 : memref<1x128xi32, #tpu.memory_space<vmem>> -> memref<128xi32, #tpu.memory_space<vmem>>
      %dma_start3A_677 = arith.constant 0 : i32
      %dma_start3A_678 = arith.constant 0 : i32
      %dma_start3A_679 = tpu.memref_slice %arg3[%dma_start3A_677, %dma_start3A_678] : memref<1000000x64xbf16, #tpu.memory_space<hbm>> -> memref<1000000x64xbf16, #tpu.memory_space<hbm>>
      tpu.enqueue_indirect_dma source(%dma_start3A_679 : memref<1000000x64xbf16, #tpu.memory_space<hbm>>) target(%dma_start3A_673 : memref<128x64xbf16, #tpu.memory_space<vmem>>) offsets(%dma_start3A_676 : memref<128xi32, #tpu.memory_space<vmem>>) semaphore(%arg13 : memref<!tpu.dma_semaphore, #tpu.memory_space<semaphore_mem>>)
      %mul3A_680 = arith.constant 5 : i32
      %mul3A_681 = arith.muli %add3A_601, %mul3A_680 : i32
      %add3A_682 = arith.addi %mul3A_2, %mul3A_681 : i32
      %mul3A_683 = arith.constant 128 : i32
      %mul3A_684 = arith.muli %add3A_682, %mul3A_683 : i32
      %dma_wait3A_685 = arith.constant 0 : i32
      %dma_wait3A_686 = tpu.memref_slice %arg4[%mul3A_684, %dma_wait3A_685] : memref<819200x64xbf16, #tpu.memory_space<hbm>> -> memref<640x64xbf16, #tpu.memory_space<hbm>>
      %dma_wait3A_687 = arith.constant 0 : i32
      %dma_wait3A_688 = tpu.memref_slice %arg4[%mul3A_684, %dma_wait3A_687] : memref<819200x64xbf16, #tpu.memory_space<hbm>> -> memref<640x64xbf16, #tpu.memory_space<hbm>>
      tpu.wait_dma2 semaphore(%arg11 : memref<!tpu.dma_semaphore, #tpu.memory_space<semaphore_mem>>) src(%dma_wait3A_688 : memref<640x64xbf16, #tpu.memory_space<hbm>>) dst(%arg7 : memref<640x64xbf16, #tpu.memory_space<vmem>>)
      %mul3A_689 = arith.constant 5 : i32
      %mul3A_690 = arith.muli %add3A_601, %mul3A_689 : i32
      %add3A_691 = arith.addi %mul3A_2, %mul3A_690 : i32
      %mul3A_692 = arith.constant 128 : i32
      %mul3A_693 = arith.muli %add3A_691, %mul3A_692 : i32
      %dma_start3A_694 = arith.constant 0 : i32
      %dma_start3A_695 = tpu.memref_slice %arg4[%mul3A_693, %dma_start3A_694] : memref<819200x64xbf16, #tpu.memory_space<hbm>> -> memref<640x64xbf16, #tpu.memory_space<hbm>>
      %dma_start3A_696 = arith.constant 0 : i32
      %dma_start3A_697 = tpu.memref_slice %arg4[%mul3A_693, %dma_start3A_696] : memref<819200x64xbf16, #tpu.memory_space<hbm>> -> memref<640x64xbf16, #tpu.memory_space<hbm>>
      tpu.enqueue_dma source(%arg7 : memref<640x64xbf16, #tpu.memory_space<vmem>>) target(%dma_start3A_697 : memref<640x64xbf16, #tpu.memory_space<hbm>>) target_semaphore(%arg15 : memref<!tpu.dma_semaphore, #tpu.memory_space<semaphore_mem>>)
    }
    %scan3A_237 = arith.constant 9 : i32
    %add3A_238 = arith.constant 190 : i32
    %add3A_239 = arith.addi %mul3A_2, %add3A_238 : i32
    %mul3A_240 = arith.constant 128 : i32
    %mul3A_241 = arith.muli %add3A_239, %mul3A_240 : i32
    %dma_wait3A_242 = arith.constant 0 : i32
    %dma_wait3A_243 = tpu.memref_slice %arg4[%mul3A_241, %dma_wait3A_242] : memref<819200x64xbf16, #tpu.memory_space<hbm>> -> memref<640x64xbf16, #tpu.memory_space<hbm>>
    %dma_wait3A_244 = arith.constant 0 : i32
    %dma_wait3A_245 = tpu.memref_slice %arg4[%mul3A_241, %dma_wait3A_244] : memref<819200x64xbf16, #tpu.memory_space<hbm>> -> memref<640x64xbf16, #tpu.memory_space<hbm>>
    tpu.wait_dma2 semaphore(%arg12 : memref<!tpu.dma_semaphore, #tpu.memory_space<semaphore_mem>>) src(%dma_wait3A_245 : memref<640x64xbf16, #tpu.memory_space<hbm>>) dst(%arg8 : memref<640x64xbf16, #tpu.memory_space<vmem>>)
    %add3A_246 = arith.constant 190 : i32
    %add3A_247 = arith.addi %mul3A_2, %add3A_246 : i32
    %mul3A_248 = arith.constant 128 : i32
    %mul3A_249 = arith.muli %add3A_247, %mul3A_248 : i32
    %dma_start3A_250 = arith.constant 0 : i32
    %dma_start3A_251 = tpu.memref_slice %arg4[%mul3A_249, %dma_start3A_250] : memref<819200x64xbf16, #tpu.memory_space<hbm>> -> memref<640x64xbf16, #tpu.memory_space<hbm>>
    %dma_start3A_252 = arith.constant 0 : i32
    %dma_start3A_253 = tpu.memref_slice %arg4[%mul3A_249, %dma_start3A_252] : memref<819200x64xbf16, #tpu.memory_space<hbm>> -> memref<640x64xbf16, #tpu.memory_space<hbm>>
    tpu.enqueue_dma source(%arg8 : memref<640x64xbf16, #tpu.memory_space<vmem>>) target(%dma_start3A_253 : memref<640x64xbf16, #tpu.memory_space<hbm>>) target_semaphore(%arg16 : memref<!tpu.dma_semaphore, #tpu.memory_space<semaphore_mem>>)
    %add3A_254 = arith.constant 195 : i32
    %add3A_255 = arith.addi %mul3A_2, %add3A_254 : i32
    %mul3A_256 = arith.constant 128 : i32
    %mul3A_257 = arith.muli %add3A_255, %mul3A_256 : i32
    %dma_wait3A_258 = arith.constant 0 : i32
    %dma_wait3A_259 = tpu.memref_slice %arg4[%mul3A_257, %dma_wait3A_258] : memref<819200x64xbf16, #tpu.memory_space<hbm>> -> memref<640x64xbf16, #tpu.memory_space<hbm>>
    %dma_wait3A_260 = arith.constant 0 : i32
    %dma_wait3A_261 = tpu.memref_slice %arg4[%mul3A_257, %dma_wait3A_260] : memref<819200x64xbf16, #tpu.memory_space<hbm>> -> memref<640x64xbf16, #tpu.memory_space<hbm>>
    tpu.wait_dma2 semaphore(%arg13 : memref<!tpu.dma_semaphore, #tpu.memory_space<semaphore_mem>>) src(%dma_wait3A_261 : memref<640x64xbf16, #tpu.memory_space<hbm>>) dst(%arg9 : memref<640x64xbf16, #tpu.memory_space<vmem>>)
    %add3A_262 = arith.constant 195 : i32
    %add3A_263 = arith.addi %mul3A_2, %add3A_262 : i32
    %mul3A_264 = arith.constant 128 : i32
    %mul3A_265 = arith.muli %add3A_263, %mul3A_264 : i32
    %dma_start3A_266 = arith.constant 0 : i32
    %dma_start3A_267 = tpu.memref_slice %arg4[%mul3A_265, %dma_start3A_266] : memref<819200x64xbf16, #tpu.memory_space<hbm>> -> memref<640x64xbf16, #tpu.memory_space<hbm>>
    %dma_start3A_268 = arith.constant 0 : i32
    %dma_start3A_269 = tpu.memref_slice %arg4[%mul3A_265, %dma_start3A_268] : memref<819200x64xbf16, #tpu.memory_space<hbm>> -> memref<640x64xbf16, #tpu.memory_space<hbm>>
    tpu.enqueue_dma source(%arg9 : memref<640x64xbf16, #tpu.memory_space<vmem>>) target(%dma_start3A_269 : memref<640x64xbf16, #tpu.memory_space<hbm>>) target_semaphore(%arg17 : memref<!tpu.dma_semaphore, #tpu.memory_space<semaphore_mem>>)
    %add3A_270 = arith.constant 180 : i32
    %add3A_271 = arith.addi %mul3A_2, %add3A_270 : i32
    %mul3A_272 = arith.constant 128 : i32
    %mul3A_273 = arith.muli %add3A_271, %mul3A_272 : i32
    %dma_wait3A_274 = arith.constant 0 : i32
    %dma_wait3A_275 = tpu.memref_slice %arg4[%mul3A_273, %dma_wait3A_274] : memref<819200x64xbf16, #tpu.memory_space<hbm>> -> memref<640x64xbf16, #tpu.memory_space<hbm>>
    %dma_wait3A_276 = arith.constant 0 : i32
    %dma_wait3A_277 = tpu.memref_slice %arg4[%mul3A_273, %dma_wait3A_276] : memref<819200x64xbf16, #tpu.memory_space<hbm>> -> memref<640x64xbf16, #tpu.memory_space<hbm>>
    tpu.wait_dma2 semaphore(%arg14 : memref<!tpu.dma_semaphore, #tpu.memory_space<semaphore_mem>>) src(%arg6 : memref<640x64xbf16, #tpu.memory_space<vmem>>) dst(%dma_wait3A_277 : memref<640x64xbf16, #tpu.memory_space<hbm>>)
    %add3A_278 = arith.constant 185 : i32
    %add3A_279 = arith.addi %mul3A_2, %add3A_278 : i32
    %mul3A_280 = arith.constant 128 : i32
    %mul3A_281 = arith.muli %add3A_279, %mul3A_280 : i32
    %dma_wait3A_282 = arith.constant 0 : i32
    %dma_wait3A_283 = tpu.memref_slice %arg4[%mul3A_281, %dma_wait3A_282] : memref<819200x64xbf16, #tpu.memory_space<hbm>> -> memref<640x64xbf16, #tpu.memory_space<hbm>>
    %dma_wait3A_284 = arith.constant 0 : i32
    %dma_wait3A_285 = tpu.memref_slice %arg4[%mul3A_281, %dma_wait3A_284] : memref<819200x64xbf16, #tpu.memory_space<hbm>> -> memref<640x64xbf16, #tpu.memory_space<hbm>>
    tpu.wait_dma2 semaphore(%arg15 : memref<!tpu.dma_semaphore, #tpu.memory_space<semaphore_mem>>) src(%arg7 : memref<640x64xbf16, #tpu.memory_space<vmem>>) dst(%dma_wait3A_285 : memref<640x64xbf16, #tpu.memory_space<hbm>>)
    %add3A_286 = arith.constant 190 : i32
    %add3A_287 = arith.addi %mul3A_2, %add3A_286 : i32
    %mul3A_288 = arith.constant 128 : i32
    %mul3A_289 = arith.muli %add3A_287, %mul3A_288 : i32
    %dma_wait3A_290 = arith.constant 0 : i32
    %dma_wait3A_291 = tpu.memref_slice %arg4[%mul3A_289, %dma_wait3A_290] : memref<819200x64xbf16, #tpu.memory_space<hbm>> -> memref<640x64xbf16, #tpu.memory_space<hbm>>
    %dma_wait3A_292 = arith.constant 0 : i32
    %dma_wait3A_293 = tpu.memref_slice %arg4[%mul3A_289, %dma_wait3A_292] : memref<819200x64xbf16, #tpu.memory_space<hbm>> -> memref<640x64xbf16, #tpu.memory_space<hbm>>
    tpu.wait_dma2 semaphore(%arg16 : memref<!tpu.dma_semaphore, #tpu.memory_space<semaphore_mem>>) src(%arg8 : memref<640x64xbf16, #tpu.memory_space<vmem>>) dst(%dma_wait3A_293 : memref<640x64xbf16, #tpu.memory_space<hbm>>)
    %add3A_294 = arith.constant 195 : i32
    %add3A_295 = arith.addi %mul3A_2, %add3A_294 : i32
    %mul3A_296 = arith.constant 128 : i32
    %mul3A_297 = arith.muli %add3A_295, %mul3A_296 : i32
    %dma_wait3A_298 = arith.constant 0 : i32
    %dma_wait3A_299 = tpu.memref_slice %arg4[%mul3A_297, %dma_wait3A_298] : memref<819200x64xbf16, #tpu.memory_space<hbm>> -> memref<640x64xbf16, #tpu.memory_space<hbm>>
    %dma_wait3A_300 = arith.constant 0 : i32
    %dma_wait3A_301 = tpu.memref_slice %arg4[%mul3A_297, %dma_wait3A_300] : memref<819200x64xbf16, #tpu.memory_space<hbm>> -> memref<640x64xbf16, #tpu.memory_space<hbm>>
    tpu.wait_dma2 semaphore(%arg17 : memref<!tpu.dma_semaphore, #tpu.memory_space<semaphore_mem>>) src(%arg9 : memref<640x64xbf16, #tpu.memory_space<vmem>>) dst(%dma_wait3A_301 : memref<640x64xbf16, #tpu.memory_space<hbm>>)
    return
  }
}

</mosaic_0001>

<sc_bundles>
// kernel: kernel.3.cloned.1.call-start
scs
__scs_entry_jumppad:
0x0: {  	(pc) =	sbr.rel $0x88, $3  }
0x1: {  	(tag) =	ssettag $0x0;
	lr =	simm.s32 $0x1  }
0x2: {  	[smem:$0x3F9F] =	sst lr;
	_ =	strace $0xD0000000  }
0x3: {  	_ = 	snop  }
0x4: {  	_ = 	snop  }
0x5: {  	_ = 	snop  }
0x6: {  	_ = 	snop  }
0x7: {  	_ = 	snop  }
__scs_overlays_trampoline_lowered:
0x8: {  	[smem:$0x3FAE] =	sst s0  }
0x9: {  	[smem:$0x3FAF] =	sst s1  }
0xa: {  	[smem:$0x3FB0] =	sst s2  }
0xb: {  	[smem:$0x3FB1] =	sst s3  }
0xc: {  	[smem:$0x3FB2] =	sst s4  }
0xd: {  	[smem:$0x3FB3] =	sst s5  }
0xe: {  	[smem:$0x3FB4] =	sst s6  }
0xf: {  	[smem:$0x3FB5] =	sst s7  }
0x10: {  	[smem:$0x3FB6] =	sst s8  }
0x11: {  	[smem:$0x3FB7] =	sst s9;
	s0 =	simm.s32 @!p0 $0x0  }
0x12: {  	s1 =	sld [smem:$0x3F9D];
	s0 =	simm.s32 @p0 $0x1  }
0x13: {  	[smem:$0x3FB8] =	sst s0;
	s0 =	simm.s32 @!p1 $0x0  }
0x14: {  	s2 =	sld [smem:$0x3F9C];
	s0 =	simm.s32 @p1 $0x1  }
0x15: {  	[smem:$0x3FB9] =	sst s0;
	s0 =	simm.s32 @!p2 $0x0  }
0x16: {  	s3 =	sld [smem:$0x3FDB];
	s0 =	simm.s32 @p2 $0x1  }
0x17: {  	s4 =	simm.s32 $0x1BF5;
	[smem:$0x3FBB] =	sst s0  }
0x18: {  	s0 =	sld [smem:$0x3F9E];
	_ =	swait.ge [sflag:s4], $0x0  }
0x19: {  	s7 =	sld [smem:$0x3F9F]  }
0x1a: {  	s8 =	sadd.s32 $0xFFFFE003, lr  }
0x1b: {  	s9 =	sadd.s32 $0xFFFFFEF7, lr;
	s5 =	simm.s32 $0xFFFFFFFF;
	p2 =	slt.u32 s8, $0xFFFFF086  }
0x1c: {  	p1 =	slt.u32 s9, $0xF7A;
	s5 =	simm.s32 @!p2 $0x0  }
0x1d: {  	s5 =	simm.s32 @p1 $0x1;
	p0 =	seq.s32 s7, s2  }
0x1e: {  	s7 =	smul.u32 @!p0 $0xF7A, s2;
	p2 =	seq.s32 @!p0 s5, $0x0  }
0x1f: {  	s9 =	smul.u32 $0xF7A, s1;
	s8 =	simm.s32 @!p0 $0x1BF5;
	p2 =	por !p2, p0  }
0x20: {  	[sflag:s8] =	ssyncset.s32 @!p0 $0xFFFFF086;
	s6 =	sadd.s32 @!p0 s3, s7;
	s7 =	simm.s32 @!p0 $0x108  }
0x21: {  	s3 =	sadd.s32 s3, s9;
	s6 =	sadd.s32 @!p0 $0x88, s6;
	s7 =	simm.s32 @p2 $0x1082  }
0x22: {  	[simem:s7], [sflag:s8] =	dma.local @!p0 [hbm:s6], $0xF7A  }
0x23: {  	s9 =	sor.u32 $0xD0000000, s2;
	s6 =	simm.s32 $0x108;
	_ =	swait.ge @!p0 [sflag:s8], $0x0  }
0x24: {  	s3 =	sadd.s32 $0x88, s3;
	s6 =	simm.s32 @!p1 $0x1082;
	[sflag:s4] =	ssyncset.s32 $0xFFFFF086  }
0x25: {  	[simem:s6], [sflag:s4] =	dma.local [hbm:s3], $0xF7A  }
0x26: {  	[smem:$0x3F9F] =	sst s1;
	(tag) =	ssettag s2;
	_ =	strace s9  }
0x27: {  	s1 =	sld [smem:$0x3FAF]  }
0x28: {  	s2 =	sld [smem:$0x3FB0]  }
0x29: {  	s4 =	sld [smem:$0x3FB2]  }
0x2a: {  	p0 =	seq.s32 s5, $0x0;
	s5 =	sld [smem:$0x3FB3]  }
0x2b: {  	s6 =	sld [smem:$0x3FB4]  }
0x2c: {  	s7 =	sld [smem:$0x3FB5]  }
0x2d: {  	s3 =	simm.s32 $0x108;
	s8 =	sld [smem:$0x3FB6]  }
0x2e: {  	s3 =	simm.s32 @!p0 $0x1082;
	s9 =	sld [smem:$0x3FB7]  }
0x2f: {  	lr =	sadd.s32 s0, s3;
	s0 =	sld [smem:$0x3FAE]  }
0x30: {  	s3 =	sld [smem:$0x3FB1]  }
0x31: {  	[smem:$0x3FBA] =	sst s10  }
0x32: {  	s10 =	sld [smem:$0x3FB8];
	_ =	sdelay $0x3  }
0x33: {  	p0 =	seq.s32 s10, $0x1;
	s10 =	sld [smem:$0x3FBA];
	_ =	sdelay $0x3  }
0x34: {  	[smem:$0x3FBA] =	sst s10  }
0x35: {  	s10 =	sld [smem:$0x3FB9];
	_ =	sdelay $0x3  }
0x36: {  	p1 =	seq.s32 s10, $0x1;
	s10 =	sld [smem:$0x3FBA];
	_ =	sdelay $0x3  }
0x37: {  	[smem:$0x3FBA] =	sst s10  }
0x38: {  	s10 =	sld [smem:$0x3FBB]  }
0x39: {  	_ = 	snop;
	(pc) =	sbr.ind lr, $3  }
0x3a: {  	_ = 	snop  }
0x3b: {  	_ = 	snop  }
0x3c: {  	p2 =	seq.s32 s10, $0x1;
	s10 =	sld [smem:$0x3FBA]  }
0x3d: {  	_ =	shalt  }
0x3e: {  	_ =	shalt  }
0x3f: {  	_ =	shalt  }
0x40: {  	_ =	shalt  }
0x41: {  	_ =	shalt  }
0x42: {  	_ =	shalt  }
0x43: {  	_ =	shalt  }
0x44: {  	_ =	shalt  }
0x45: {  	_ =	shalt  }
0x46: {  	_ =	shalt  }
0x47: {  	_ =	shalt  }
0x48: {  	_ =	shalt  }
0x49: {  	_ =	shalt  }
0x4a: {  	_ =	shalt  }
0x4b: {  	_ =	shalt  }
0x4c: {  	_ =	shalt  }
0x4d: {  	_ =	shalt  }
0x4e: {  	_ =	shalt  }
0x4f: {  	_ =	shalt  }
0x50: {  	_ =	shalt  }
0x51: {  	_ =	shalt  }
0x52: {  	_ =	shalt  }
0x53: {  	_ =	shalt  }
0x54: {  	_ =	shalt  }
0x55: {  	_ =	shalt  }
0x56: {  	_ =	shalt  }
0x57: {  	_ =	shalt  }
0x58: {  	_ =	shalt  }
0x59: {  	_ =	shalt  }
0x5a: {  	_ =	shalt  }
0x5b: {  	_ =	shalt  }
0x5c: {  	_ =	shalt  }
0x5d: {  	_ =	shalt  }
0x5e: {  	_ =	shalt  }
0x5f: {  	_ =	shalt  }
0x60: {  	_ =	shalt  }
0x61: {  	_ =	shalt  }
0x62: {  	_ =	shalt  }
0x63: {  	_ =	shalt  }
0x64: {  	_ =	shalt  }
0x65: {  	_ =	shalt  }
0x66: {  	_ =	shalt  }
0x67: {  	_ =	shalt  }
0x68: {  	_ =	shalt  }
0x69: {  	_ =	shalt  }
0x6a: {  	_ =	shalt  }
0x6b: {  	_ =	shalt  }
0x6c: {  	_ =	shalt  }
0x6d: {  	_ =	shalt  }
0x6e: {  	_ =	shalt  }
0x6f: {  	_ =	shalt  }
0x70: {  	_ =	shalt  }
0x71: {  	_ =	shalt  }
0x72: {  	_ =	shalt  }
0x73: {  	_ =	shalt  }
0x74: {  	_ =	shalt  }
0x75: {  	_ =	shalt  }
0x76: {  	_ =	shalt  }
0x77: {  	_ =	shalt  }
0x78: {  	_ =	shalt  }
0x79: {  	_ =	shalt  }
0x7a: {  	_ =	shalt  }
0x7b: {  	_ =	shalt  }
0x7c: {  	_ =	shalt  }
0x7d: {  	_ =	shalt  }
0x7e: {  	_ =	shalt  }
0x7f: {  	_ =	shalt  }
0x80: {  	_ =	shalt  }
0x81: {  	_ =	shalt  }
0x82: {  	_ =	shalt  }
0x83: {  	_ =	shalt  }
0x84: {  	_ =	shalt  }
0x85: {  	_ =	shalt  }
0x86: {  	_ =	shalt  }
0x87: {  	_ =	shalt  }
.Lfunc_end0:
.L_simem_size_0:
called_computation.2_lowered:
.L_overlay_start_0:
0x88: {  	s2 =	sld [smem:$0x3FD9]  }
0x89: {  	s3 =	sld [smem:$0x3FFE];
	_ =	sdelay $0x1  }
0x8a: {  	s1 =	srdreg.scid  }
0x8b: {  	s0 =	sand.u32 $0x1, s1  }
0x8c: {  	s17 =	sshll.u32 s0, $0xA;
	s2 =	sadd.s32 s3, s2  }
0x8d: {  	s2 =	sadd.s32 s2, s17  }
0x8e: {  	[smem:$0x3FC6] =	sst s2  }
0x8f: {  	_ = 	snop  }
0x90: {  	s2 =	sld [smem:$0x3FD0];
	(tm) =	ssettm $0x1  }
0x91: {  	s18 =	sld [smem:$0x3FFB];
	_ =	sdelay $0x3  }
0x92: {  	_ =	strace s18  }
0x93: {  	s3 =	sld [smem:$0x3FFC];
	_ =	sdelay $0x3  }
0x94: {  	_ =	strace s3  }
0x95: {  	s3 =	sld [smem:$0x3FFD];
	_ =	sdelay $0x3  }
0x96: {  	_ =	strace s3  }
0x97: {  	_ =	strace $0x8FFFFFFF  }
0x98: {  	s19 =	sld [smem:$0x3FDB];
	_ =	sdelay $0x1  }
0x99: {  	s4 =	simm.s32 $_scs_section_size  }
0x9a: {  	s5 =	simm.s32 $_size__tile_overlayer_lowered;
	s6 =	simm.s32 $_tile_overlayer_lowered  }
0x9b: {  	s22 =	simm.s32 $0x1BFF;
	s21 =	sshll.u32 s6, $0x1;
	s3 =	sadd.s32 s4, s19  }
0x9c: {  	s7 =	simm.s32 $0x0;
	s20 =	sshll.u32 s5, $0x1;
	s5 =	sadd.s32 s21, s3  }
0x9d: {  	[timem:s7], [sflag:s22] =	dma.local [hbm:s5], s20  }
0x9e: {  	_ =	swait.ge [sflag:s22], s20  }
0x9f: {  	s4 =	ssub.s32 $0x0, s20;
	[sflag:s22] =	ssyncset.done $0x0  }
0xa0: {  	[sflag:s22] =	ssyncadd.s32 s4;
	_ =	sdelay $0x1  }
0xa1: {  	s23 =	simm.s32 $0x1B8B  }
0xa2: {  	_ =	swait.ge [sflag:s23], $0x1  }
0xa3: {  	[sflag:s23] =	ssyncset.done $0x0  }
0xa4: {  	s25 =	simm.s32 $0x1B8E;
	s24 =	sld [smem:$0x3FFE];
	[sflag:s23] =	ssyncadd.s32 $0xFFFFFFFF  }
0xa5: {  	s26 =	simm.s32 $execute0_lowered;
	[smem:$0x3FD2] =	sst s25  }
0xa6: {  	s5 =	sshll.u32 s26, $0x1;
	_ =	strace $0x80000049;
	[dreg:$0x1] =	wrdreg $0xFFFFFFFF  }
0xa7: {  	s28 =	simm.s32 $_size_execute0_lowered;
	s3 =	sadd.s32 s3, s5;
	[dreg:$0x0] =	wrdreg $0x0  }
0xa8: {  	s5 =	sshll.u32 s28, $0x1;
	[dreg:$0x2] =	wrdreg s3  }
0xa9: {  	[dreg:$0x3] =	wrdreg s5  }
0xaa: {  	[dreg:$0x4] =	wrdreg $0xC0  }
0xab: {  	_ =	task [dreg:s7], $0x5FFFF  }
0xac: {  	[dreg:$0x1] =	wrdreg $0xFFFFFFFF  }
0xad: {  	[dreg:$0x0] =	wrdreg $0x60  }
0xae: {  	[dreg:$0x2] =	wrdreg s2  }
0xaf: {  	[dreg:$0x3] =	wrdreg s24  }
0xb0: {  	[dreg:$0x4] =	wrdreg $0x9  }
0xb1: {  	_ =	task.clear_ibuf [dreg:s7], $0x5FFFF;
	_ =	strace $0x90000049  }
0xb2: {  	s29 =	simm.s32 $0x9;
	_ =	strace $0x8000004B  }
0xb3: {  	_ =	swait.ge [sflag:s29], $0x1  }
0xb4: {  	[sflag:s29] =	ssyncadd.s32 $0xFFFFFFFF  }
0xb5: {  	_ =	strace $0x9000004B  }
0xb6: {  	_ =	sfence  }
0xb7: {  	s30 =	sld [smem:$0x0];
	_ =	sdelay $0x2  }
0xb8: {  	s31 =	sshll.u32 s1, $0xD;
	s1 =	sshrl.u32 s1, $0x2  }
0xb9: {  	s3 =	sand.u32 $0x4000, s31;
	s1 =	sadd.s32 s1, s30  }
0xba: {  	s0 =	sor.u32 s3, s0;
	s1 =	sshll.u32 s1, $0x11  }
0xbb: {  	s0 =	sor.u32 s1, s0  }
0xbc: {  	s0 =	sadd.s32 $0x8F2B, s0  }
0xbd: {  	[sflag:s0] =	ssyncadd.remote.s32 $0x1  }
0xbe: {  	_ =	sfence.sel $0xFFFF  }
0xbf: {  	[dreg:$0x0] =	wrdreg $0xFFFFFFFF;
	(pc) =	sbr.abs _section_cstart, $3  }
0xc0: {  	[dreg:$0x1] =	wrdreg $0xFFFFFFFF  }
0xc1: {  	_ =	task.clear_ibuf [dreg:s7], $0x2FFFF;
	_ =	strace $0x9FFFFFFF  }
0xc2: {  	(tm) =	ssettm $0x7FFFFFFF  }
0xc3: {  	_ =	shalt  }
tec
execute0_lowered:
.L_overlay_start_1:
0x0: {  	(tag) =	ssettag $0x1  }
0x1: {  	s0 =	rddreg [dreg:$0x0]  }
0x2: {  	s1 =	rddreg [dreg:$0x1]  }
0x3: {  	s2 =	simm.s32 $0x0;
	s3 =	srdreg.scid;
	s6 =	stileid.u32  }
0x4: {  	s11 =	simm.s32 $0x80;
	s30 =	simm.s32 $0x6400;
	s15 =	simm.s32 $0x8400  }
0x5: {  	s17 =	simm.s32 $0x9400;
	s14 =	simm.s32 $0xC400;
	s18 =	simm.s32 $0xD400  }
0x6: {  	s28 =	simm.s32 $0x12400;
	s16 =	simm.s32 $0x14400;
	s29 =	simm.s32 $0x1  }
0x7: {  	s31 =	simm.s32 $0x18400;
	s13 =	simm.s32 $0x0;
	[smem:$0x7FF] =	sst s2  }
0x8: {  	s4 =	sand.u32 $0x1, s3;
	s5 =	sshll.u32 s6, $0x1;
	s6 =	smul.u32 $0x190, s6  }
0x9: {  	s3 =	sadd.s32 $0x3D1800, s1;
	s5 =	sor.u32 s4, s5;
	s7 =	smul.u32 $0xC8, s4  }
0xa: {  	s1 =	sadd.s32 $0xE00, s1;
	_ =	strace $0x8000004A;
	s8 =	smul.u32 $0xC80, s5  }
0xb: {  	s4 =	ssub.s32 $0x2, s4;
	[dreg:$0xd] =	wrdreg s13;
	s10 =	smul.u32 $0x19000, s5  }
0xc: {  	s9 =	sshrl.u32 s4, $0x1;
	s5 =	smul.u32 $0x190000, s5;
	s6 =	sadd.s32 s7, s6  }
0xd: {  	s4 =	ssub.s32 s4, s9;
	s7 =	simm.s32 $0x3;
	s9 =	simm.s32 $0x7  }
0xe: {  	s6 =	sshll.u32 s6, $0x9;
	s0 =	sadd.s32 s0, s8;
	s19 =	sadd.s32 s1, s10  }
0xf: {  	s5 =	sshrl.u32 s5, $0x4;
	s26 =	smax.u32 s4, $0x1;
	[dreg:$0x7] =	wrdreg s0  }
0x10: {  	s4 =	simm.s32 $0x2;
	s8 =	simm.s32 $0x4;
	[dreg:$0x8] =	wrdreg s19  }
0x11: {  	s20 =	sadd.s32 s1, s6;
	s21 =	sadd.s32 $0xA00, s19;
	[dreg:$0xc] =	wrdreg s26  }
0x12: {  	s1 =	sadd.s32 s1, s5;
	[dreg:$0x9] =	wrdreg s21;
	s22 =	sadd.s32 $0x1E00, s20  }
0x13: {  	s10 =	simm.s32 $0x8;
	s24 =	sadd.s32 $0x17C00, s1;
	[dreg:$0x3] =	wrdreg s22  }
0x14: {  	s19 =	simm.s32 $0xA400;
	s23 =	sadd.s32 $0x1400, s20;
	[dreg:$0xa] =	wrdreg s24  }
0x15: {  	s26 =	simm.s32 $0xF400;
	s1 =	sadd.s32 $0x18600, s1;
	[dreg:$0x4] =	wrdreg s23  }
0x16: {  	s6 =	simm.s32 $0x5;
	s25 =	sadd.s32 $0x3200, s20;
	[dreg:$0xb] =	wrdreg s1  }
0x17: {  	s5 =	simm.s32 $0x6;
	s0 =	sadd.s32 $0x2800, s20;
	[dreg:$0x5] =	wrdreg s25  }
0x18: {  	s20 =	simm.s32 $0x11400;
	s21 =	simm.s32 $0x17400;
	[dreg:$0x6] =	wrdreg s0  }
0x19: {  	s23 =	simm.s32 $0x7400;
	s22 =	simm.s32 $0xE400;
	s0 =	simm.s32 $0x10400  }
0x1a: {  	s24 =	simm.s32 $0x13400;
	s1 =	simm.s32 $0x15400;
	s25 =	simm.s32 $0x16400  }
.LBB2_1:
0x1b: {  	s13 =	rddreg [dreg:$0x7];
	s12 =	simm.s32 $0x9  }
0x1c: {  	[tilespmem:s2], [sflag:$0x9] =	stream.linear.gather [hbm4b:s13+s2], $0x6400, $0x38;
	[tilespmem:$0x1A400] =	vst v63  }
0x1d: {  	_ =	swait.ge [sflag:s12], $0x6400  }
0x1e: {  	[sflag:s12] =	ssyncset.done $0x0  }
0x1f: {  	[sflag:s12] =	ssyncadd.s32 $0xFFFF9C00  }
0x20: {  	[tilespmem:s30], [sflag:$0x1] =	stream.indirect.gather [hbm4b:s3+s11], $0x20, s2, s11, $0xb8;
	[tilespmem:$0x1A400] =	vst v63  }
0x21: {  	_ = 	snop  }
0x22: {  	[tilespmem:s23], [sflag:$0x1] =	stream.indirect.gather [hbm4b:s3+s11], $0x20, s11, s11, $0xb8;
	[tilespmem:$0x1A400] =	vst v63  }
0x23: {  	s12 =	simm.s32 $0x100  }
0x24: {  	[tilespmem:s15], [sflag:$0x1] =	stream.indirect.gather [hbm4b:s3+s11], $0x20, s12, s11, $0xb8;
	[tilespmem:$0x1A400] =	vst v63  }
0x25: {  	s12 =	simm.s32 $0x180  }
0x26: {  	[tilespmem:s17], [sflag:$0x1] =	stream.indirect.gather [hbm4b:s3+s11], $0x20, s12, s11, $0xb8;
	[tilespmem:$0x1A400] =	vst v63  }
0x27: {  	s12 =	simm.s32 $0x200  }
0x28: {  	[tilespmem:s19], [sflag:$0x1] =	stream.indirect.gather [hbm4b:s3+s11], $0x20, s12, s11, $0xb8;
	[tilespmem:$0x1A400] =	vst v63  }
0x29: {  	s13 =	simm.s32 $0x280;
	s12 =	simm.s32 $0xB400  }
0x2a: {  	[tilespmem:s12], [sflag:$0x2] =	stream.indirect.gather [hbm4b:s3+s11], $0x20, s13, s11, $0xb8;
	[tilespmem:$0x1A400] =	vst v63  }
0x2b: {  	s12 =	simm.s32 $0x300  }
0x2c: {  	[tilespmem:s14], [sflag:$0x2] =	stream.indirect.gather [hbm4b:s3+s11], $0x20, s12, s11, $0xb8;
	[tilespmem:$0x1A400] =	vst v63  }
0x2d: {  	s12 =	simm.s32 $0x380  }
0x2e: {  	[tilespmem:s18], [sflag:$0x2] =	stream.indirect.gather [hbm4b:s3+s11], $0x20, s12, s11, $0xb8;
	[tilespmem:$0x1A400] =	vst v63  }
0x2f: {  	s12 =	simm.s32 $0x400  }
0x30: {  	[tilespmem:s22], [sflag:$0x2] =	stream.indirect.gather [hbm4b:s3+s11], $0x20, s12, s11, $0xb8;
	[tilespmem:$0x1A400] =	vst v63  }
0x31: {  	s12 =	simm.s32 $0x480  }
0x32: {  	[tilespmem:s26], [sflag:$0x2] =	stream.indirect.gather [hbm4b:s3+s11], $0x20, s12, s11, $0xb8;
	[tilespmem:$0x1A400] =	vst v63  }
0x33: {  	s12 =	simm.s32 $0x500  }
0x34: {  	[tilespmem:s0], [sflag:$0x3] =	stream.indirect.gather [hbm4b:s3+s11], $0x20, s12, s11, $0xb8;
	[tilespmem:$0x1A400] =	vst v63  }
0x35: {  	s12 =	simm.s32 $0x580  }
0x36: {  	[tilespmem:s20], [sflag:$0x3] =	stream.indirect.gather [hbm4b:s3+s11], $0x20, s12, s11, $0xb8;
	[tilespmem:$0x1A400] =	vst v63  }
0x37: {  	s12 =	simm.s32 $0x600  }
0x38: {  	[tilespmem:s28], [sflag:$0x3] =	stream.indirect.gather [hbm4b:s3+s11], $0x20, s12, s11, $0xb8;
	[tilespmem:$0x1A400] =	vst v63  }
0x39: {  	s12 =	simm.s32 $0x680  }
0x3a: {  	[tilespmem:s24], [sflag:$0x3] =	stream.indirect.gather [hbm4b:s3+s11], $0x20, s12, s11, $0xb8;
	[tilespmem:$0x1A400] =	vst v63  }
0x3b: {  	s12 =	simm.s32 $0x700  }
0x3c: {  	[tilespmem:s16], [sflag:$0x3] =	stream.indirect.gather [hbm4b:s3+s11], $0x20, s12, s11, $0xb8;
	[tilespmem:$0x1A400] =	vst v63  }
0x3d: {  	_ =	swait.ge [sflag:s29], $0x5000  }
0x3e: {  	[sflag:s29] =	ssyncset.done $0x0  }
0x3f: {  	s12 =	rddreg [dreg:$0x8];
	[sflag:s29] =	ssyncadd.s32 $0xFFFFB000  }
0x40: {  	[hbm4b:s12+s2] =	stream.linear.scatter [tilespmem:s30], [sflag:$0x5], $0x5000, $0x38;
	[tilespmem:$0x1A400] =	vst v63  }
0x41: {  	s12 =	simm.s32 $0x780  }
0x42: {  	[tilespmem:s1], [sflag:$0x4] =	stream.indirect.gather [hbm4b:s3+s11], $0x20, s12, s11, $0xb8;
	[tilespmem:$0x1A400] =	vst v63  }
0x43: {  	s12 =	simm.s32 $0x800  }
0x44: {  	[tilespmem:s25], [sflag:$0x4] =	stream.indirect.gather [hbm4b:s3+s11], $0x20, s12, s11, $0xb8;
	[tilespmem:$0x1A400] =	vst v63  }
0x45: {  	s12 =	simm.s32 $0x880  }
0x46: {  	[tilespmem:s21], [sflag:$0x4] =	stream.indirect.gather [hbm4b:s3+s11], $0x20, s12, s11, $0xb8;
	[tilespmem:$0x1A400] =	vst v63  }
0x47: {  	s12 =	simm.s32 $0x900  }
0x48: {  	[tilespmem:s31], [sflag:$0x4] =	stream.indirect.gather [hbm4b:s3+s11], $0x20, s12, s11, $0xb8;
	[tilespmem:$0x1A400] =	vst v63  }
0x49: {  	s13 =	simm.s32 $0x980;
	s12 =	simm.s32 $0x19400  }
0x4a: {  	[tilespmem:s12], [sflag:$0x4] =	stream.indirect.gather [hbm4b:s3+s11], $0x20, s13, s11, $0xb8;
	[tilespmem:$0x1A400] =	vst v63  }
0x4b: {  	_ =	swait.ge [sflag:s4], $0x5000  }
0x4c: {  	[sflag:s4] =	ssyncset.done $0x0  }
0x4d: {  	s12 =	simm.s32 $0xB400;
	s13 =	rddreg [dreg:$0x9];
	[sflag:s4] =	ssyncadd.s32 $0xFFFFB000  }
0x4e: {  	[hbm4b:s13+s2] =	stream.linear.scatter [tilespmem:s12], [sflag:$0x6], $0x5000, $0x38;
	[tilespmem:$0x1A400] =	vst v63  }
0x4f: {  	_ =	swait.ge [sflag:s6], $0x5000  }
0x50: {  	[sflag:s6] =	ssyncset.done $0x0  }
0x51: {  	s13 =	simm.s32 $0xA00;
	[sflag:s6] =	ssyncadd.s32 $0xFFFFB000  }
0x52: {  	[tilespmem:s30], [sflag:$0x1] =	stream.indirect.gather [hbm4b:s3+s11], $0x20, s13, s11, $0xb8;
	[tilespmem:$0x1A400] =	vst v63  }
0x53: {  	s13 =	simm.s32 $0xA80  }
0x54: {  	[tilespmem:s23], [sflag:$0x1] =	stream.indirect.gather [hbm4b:s3+s11], $0x20, s13, s11, $0xb8;
	[tilespmem:$0x1A400] =	vst v63  }
0x55: {  	s13 =	simm.s32 $0xB00  }
0x56: {  	[tilespmem:s15], [sflag:$0x1] =	stream.indirect.gather [hbm4b:s3+s11], $0x20, s13, s11, $0xb8;
	[tilespmem:$0x1A400] =	vst v63  }
0x57: {  	s15 =	simm.s32 $0xB80  }
0x58: {  	[tilespmem:s17], [sflag:$0x1] =	stream.indirect.gather [hbm4b:s3+s11], $0x20, s15, s11, $0xb8;
	[tilespmem:$0x1A400] =	vst v63  }
0x59: {  	s15 =	simm.s32 $0xC00  }
0x5a: {  	[tilespmem:s19], [sflag:$0x1] =	stream.indirect.gather [hbm4b:s3+s11], $0x20, s15, s11, $0xb8;
	[tilespmem:$0x1A400] =	vst v63  }
0x5b: {  	s17 =	rddreg [dreg:$0x4];
	_ =	swait.ge [sflag:s7], $0x5000  }
0x5c: {  	[sflag:s7] =	ssyncset.done $0x0  }
0x5d: {  	s17 =	sadd.s32 $0x0, s17;
	[sflag:s7] =	ssyncadd.s32 $0xFFFFB000  }
0x5e: {  	[hbm4b:s17+s2] =	stream.linear.scatter [tilespmem:s0], [sflag:$0x7], $0x5000, $0x38;
	[tilespmem:$0x1A400] =	vst v63  }
0x5f: {  	_ =	swait.ge [sflag:s5], $0x5000  }
0x60: {  	[sflag:s5] =	ssyncset.done $0x0  }
0x61: {  	s12 =	simm.s32 $0xB400;
	s19 =	simm.s32 $0xC80;
	[sflag:s5] =	ssyncadd.s32 $0xFFFFB000  }
0x62: {  	[tilespmem:s12], [sflag:$0x2] =	stream.indirect.gather [hbm4b:s3+s11], $0x20, s19, s11, $0xb8;
	[tilespmem:$0x1A400] =	vst v63  }
0x63: {  	s15 =	simm.s32 $0xD00  }
0x64: {  	[tilespmem:s14], [sflag:$0x2] =	stream.indirect.gather [hbm4b:s3+s11], $0x20, s15, s11, $0xb8;
	[tilespmem:$0x1A400] =	vst v63  }
0x65: {  	s17 =	simm.s32 $0xD80  }
0x66: {  	[tilespmem:s18], [sflag:$0x2] =	stream.indirect.gather [hbm4b:s3+s11], $0x20, s17, s11, $0xb8;
	[tilespmem:$0x1A400] =	vst v63  }
0x67: {  	s19 =	simm.s32 $0xE00  }
0x68: {  	[tilespmem:s22], [sflag:$0x2] =	stream.indirect.gather [hbm4b:s3+s11], $0x20, s19, s11, $0xb8;
	[tilespmem:$0x1A400] =	vst v63  }
0x69: {  	s12 =	simm.s32 $0xE80  }
0x6a: {  	[tilespmem:s26], [sflag:$0x2] =	stream.indirect.gather [hbm4b:s3+s11], $0x20, s12, s11, $0xb8;
	[tilespmem:$0x1A400] =	vst v63  }
0x6b: {  	s14 =	rddreg [dreg:$0x3];
	_ =	swait.ge [sflag:s8], $0x5000  }
0x6c: {  	[sflag:s8] =	ssyncset.done $0x0  }
0x6d: {  	s17 =	sadd.s32 $0x0, s14;
	[sflag:s8] =	ssyncadd.s32 $0xFFFFB000  }
0x6e: {  	[hbm4b:s17+s2] =	stream.linear.scatter [tilespmem:s1], [sflag:$0x8], $0x5000, $0x38;
	[tilespmem:$0x1A400] =	vst v63  }
0x6f: {  	_ =	swait.ge [sflag:s9], $0x5000  }
0x70: {  	[sflag:s9] =	ssyncset.done $0x0  }
0x71: {  	s18 =	simm.s32 $0xF00;
	[sflag:s9] =	ssyncadd.s32 $0xFFFFB000  }
0x72: {  	[tilespmem:s0], [sflag:$0x3] =	stream.indirect.gather [hbm4b:s3+s11], $0x20, s18, s11, $0xb8;
	[tilespmem:$0x1A400] =	vst v63  }
0x73: {  	s19 =	simm.s32 $0xF80  }
0x74: {  	[tilespmem:s20], [sflag:$0x3] =	stream.indirect.gather [hbm4b:s3+s11], $0x20, s19, s11, $0xb8;
	[tilespmem:$0x1A400] =	vst v63  }
0x75: {  	s22 =	simm.s32 $0x1000  }
0x76: {  	[tilespmem:s28], [sflag:$0x3] =	stream.indirect.gather [hbm4b:s3+s11], $0x20, s22, s11, $0xb8;
	[tilespmem:$0x1A400] =	vst v63  }
0x77: {  	s26 =	simm.s32 $0x1080  }
0x78: {  	[tilespmem:s24], [sflag:$0x3] =	stream.indirect.gather [hbm4b:s3+s11], $0x20, s26, s11, $0xb8;
	[tilespmem:$0x1A400] =	vst v63  }
0x79: {  	s12 =	simm.s32 $0x1100  }
0x7a: {  	[tilespmem:s16], [sflag:$0x3] =	stream.indirect.gather [hbm4b:s3+s11], $0x20, s12, s11, $0xb8;
	[tilespmem:$0x1A400] =	vst v63  }
0x7b: {  	s14 =	rddreg [dreg:$0x6];
	_ =	swait.ge [sflag:s29], $0x5000  }
0x7c: {  	[sflag:s29] =	ssyncset.done $0x0  }
0x7d: {  	s17 =	sadd.s32 $0x0, s14;
	[sflag:s29] =	ssyncadd.s32 $0xFFFFB000  }
0x7e: {  	[hbm4b:s17+s2] =	stream.linear.scatter [tilespmem:s30], [sflag:$0x5], $0x5000, $0x38;
	[tilespmem:$0x1A400] =	vst v63  }
0x7f: {  	_ =	swait.ge [sflag:s10], $0x5000  }
0x80: {  	[sflag:s10] =	ssyncset.done $0x0  }
0x81: {  	s13 =	simm.s32 $0x2800;
	s18 =	simm.s32 $0x1180;
	[sflag:s10] =	ssyncadd.s32 $0xFFFFB000  }
0x82: {  	[tilespmem:s1], [sflag:$0x4] =	stream.indirect.gather [hbm4b:s3+s11], $0x20, s18, s11, $0xb8;
	[tilespmem:$0x1A400] =	vst v63  }
0x83: {  	s14 =	simm.s32 $0x6400;
	s19 =	simm.s32 $0x1200;
	s20 =	simm.s32 $0x1280  }
0x84: {  	[tilespmem:s25], [sflag:$0x4] =	stream.indirect.gather [hbm4b:s3+s11], $0x20, s19, s11, $0xb8;
	[tilespmem:$0x1A400] =	vst v63  }
0x85: {  	s22 =	simm.s32 $0x1300;
	s28 =	simm.s32 $0x18400;
	s24 =	simm.s32 $0x1380  }
0x86: {  	[tilespmem:s21], [sflag:$0x4] =	stream.indirect.gather [hbm4b:s3+s11], $0x20, s20, s11, $0xb8;
	[tilespmem:$0x1A400] =	vst v63  }
0x87: {  	s26 =	simm.s32 $0x19400;
	s16 =	simm.s32 $0x14400;
	s25 =	rddreg [dreg:$0x5]  }
0x88: {  	[tilespmem:s31], [sflag:$0x4] =	stream.indirect.gather [hbm4b:s3+s11], $0x20, s22, s11, $0xb8;
	[tilespmem:$0x1A400] =	vst v63  }
0x89: {  	s12 =	simm.s32 $0x17400;
	s30 =	simm.s32 $0xA400;
	s15 =	sadd.s32 $0x0, s25  }
0x8a: {  	[tilespmem:s26], [sflag:$0x4] =	stream.indirect.gather [hbm4b:s3+s11], $0x20, s24, s11, $0xb8;
	[tilespmem:$0x1A400] =	vst v63  }
0x8b: {  	s25 =	simm.s32 $0x16400;
	s20 =	simm.s32 $0x11400;
	_ =	swait.ge [sflag:s4], $0x5000  }
0x8c: {  	s22 =	simm.s32 $0xE400;
	s31 =	simm.s32 $0x12400;
	[sflag:s4] =	ssyncset.done $0x0  }
0x8d: {  	s26 =	simm.s32 $0xF400;
	s24 =	simm.s32 $0x13400;
	[sflag:s4] =	ssyncadd.s32 $0xFFFFB000  }
.LBB2_2:
0x8e: {  	s21 =	simm.s32 $0xB400  }
0x8f: {  	[hbm4b:s15+s2] =	stream.linear.scatter [tilespmem:s21], [sflag:$0x6], $0x5000, $0x38;
	[tilespmem:$0x1A400] =	vst v63  }
0x90: {  	s15 =	smov.u32 s13;
	_ =	swait.ge [sflag:s6], $0x5000  }
0x91: {  	s17 =	sshra.s32 s15, $0x2;
	[sflag:s6] =	ssyncset.done $0x0  }
0x92: {  	s19 =	sadd.s32 $0xA00, s17;
	[sflag:s6] =	ssyncadd.s32 $0xFFFFB000  }
0x93: {  	[tilespmem:s14], [sflag:$0x1] =	stream.indirect.gather [hbm4b:s3+s11], $0x20, s19, s11, $0xb8;
	[tilespmem:$0x1A400] =	vst v63  }
0x94: {  	s18 =	sadd.s32 $0xA80, s17  }
0x95: {  	[tilespmem:s23], [sflag:$0x1] =	stream.indirect.gather [hbm4b:s3+s11], $0x20, s18, s11, $0xb8;
	[tilespmem:$0x1A400] =	vst v63  }
0x96: {  	s23 =	sadd.s32 $0xB00, s17;
	s18 =	simm.s32 $0x8400  }
0x97: {  	[tilespmem:s18], [sflag:$0x1] =	stream.indirect.gather [hbm4b:s3+s11], $0x20, s23, s11, $0xb8;
	[tilespmem:$0x1A400] =	vst v63  }
0x98: {  	s18 =	sadd.s32 $0xB80, s17;
	s23 =	simm.s32 $0x9400  }
0x99: {  	[tilespmem:s23], [sflag:$0x1] =	stream.indirect.gather [hbm4b:s3+s11], $0x20, s18, s11, $0xb8;
	[tilespmem:$0x1A400] =	vst v63  }
0x9a: {  	s23 =	sadd.s32 $0xC00, s17  }
0x9b: {  	[tilespmem:s30], [sflag:$0x1] =	stream.indirect.gather [hbm4b:s3+s11], $0x20, s23, s11, $0xb8;
	[tilespmem:$0x1A400] =	vst v63  }
0x9c: {  	s18 =	rddreg [dreg:$0x4];
	_ =	swait.ge [sflag:s7], $0x5000  }
0x9d: {  	[sflag:s7] =	ssyncset.done $0x0  }
0x9e: {  	s18 =	sadd.s32 s15, s18;
	[sflag:s7] =	ssyncadd.s32 $0xFFFFB000  }
0x9f: {  	[hbm4b:s18+s2] =	stream.linear.scatter [tilespmem:s0], [sflag:$0x7], $0x5000, $0x38;
	[tilespmem:$0x1A400] =	vst v63  }
0xa0: {  	_ =	swait.ge [sflag:s5], $0x5000  }
0xa1: {  	[sflag:s5] =	ssyncset.done $0x0  }
0xa2: {  	s23 =	sadd.s32 $0xC80, s17;
	[sflag:s5] =	ssyncadd.s32 $0xFFFFB000  }
0xa3: {  	[tilespmem:s21], [sflag:$0x2] =	stream.indirect.gather [hbm4b:s3+s11], $0x20, s23, s11, $0xb8;
	[tilespmem:$0x1A400] =	vst v63  }
0xa4: {  	s21 =	sadd.s32 $0xD00, s17;
	s23 =	simm.s32 $0xC400  }
0xa5: {  	[tilespmem:s23], [sflag:$0x2] =	stream.indirect.gather [hbm4b:s3+s11], $0x20, s21, s11, $0xb8;
	[tilespmem:$0x1A400] =	vst v63  }
0xa6: {  	s21 =	sadd.s32 $0xD80, s17;
	s23 =	simm.s32 $0xD400  }
0xa7: {  	[tilespmem:s23], [sflag:$0x2] =	stream.indirect.gather [hbm4b:s3+s11], $0x20, s21, s11, $0xb8;
	[tilespmem:$0x1A400] =	vst v63  }
0xa8: {  	s21 =	sadd.s32 $0xE00, s17  }
0xa9: {  	[tilespmem:s22], [sflag:$0x2] =	stream.indirect.gather [hbm4b:s3+s11], $0x20, s21, s11, $0xb8;
	[tilespmem:$0x1A400] =	vst v63  }
0xaa: {  	s23 =	sadd.s32 $0xE80, s17  }
0xab: {  	[tilespmem:s26], [sflag:$0x2] =	stream.indirect.gather [hbm4b:s3+s11], $0x20, s23, s11, $0xb8;
	[tilespmem:$0x1A400] =	vst v63  }
0xac: {  	s21 =	rddreg [dreg:$0x3];
	_ =	swait.ge [sflag:s8], $0x5000  }
0xad: {  	[sflag:s8] =	ssyncset.done $0x0  }
0xae: {  	s21 =	sadd.s32 s15, s21;
	[sflag:s8] =	ssyncadd.s32 $0xFFFFB000  }
0xaf: {  	[hbm4b:s21+s2] =	stream.linear.scatter [tilespmem:s1], [sflag:$0x8], $0x5000, $0x38;
	[tilespmem:$0x1A400] =	vst v63  }
0xb0: {  	_ =	swait.ge [sflag:s9], $0x5000  }
0xb1: {  	[sflag:s9] =	ssyncset.done $0x0  }
0xb2: {  	s23 =	sadd.s32 $0xF00, s17;
	[sflag:s9] =	ssyncadd.s32 $0xFFFFB000  }
0xb3: {  	[tilespmem:s0], [sflag:$0x3] =	stream.indirect.gather [hbm4b:s3+s11], $0x20, s23, s11, $0xb8;
	[tilespmem:$0x1A400] =	vst v63  }
0xb4: {  	s21 =	sadd.s32 $0xF80, s17  }
0xb5: {  	[tilespmem:s20], [sflag:$0x3] =	stream.indirect.gather [hbm4b:s3+s11], $0x20, s21, s11, $0xb8;
	[tilespmem:$0x1A400] =	vst v63  }
0xb6: {  	s23 =	sadd.s32 $0x1000, s17  }
0xb7: {  	[tilespmem:s31], [sflag:$0x3] =	stream.indirect.gather [hbm4b:s3+s11], $0x20, s23, s11, $0xb8;
	[tilespmem:$0x1A400] =	vst v63  }
0xb8: {  	s21 =	sadd.s32 $0x1080, s17  }
0xb9: {  	[tilespmem:s24], [sflag:$0x3] =	stream.indirect.gather [hbm4b:s3+s11], $0x20, s21, s11, $0xb8;
	[tilespmem:$0x1A400] =	vst v63  }
0xba: {  	s23 =	sadd.s32 $0x1100, s17  }
0xbb: {  	[tilespmem:s16], [sflag:$0x3] =	stream.indirect.gather [hbm4b:s3+s11], $0x20, s23, s11, $0xb8;
	[tilespmem:$0x1A400] =	vst v63  }
0xbc: {  	s21 =	rddreg [dreg:$0x6];
	_ =	swait.ge [sflag:s29], $0x5000  }
0xbd: {  	[sflag:s29] =	ssyncset.done $0x0  }
0xbe: {  	s21 =	sadd.s32 s15, s21;
	[sflag:s29] =	ssyncadd.s32 $0xFFFFB000  }
0xbf: {  	[hbm4b:s21+s2] =	stream.linear.scatter [tilespmem:s14], [sflag:$0x5], $0x5000, $0x38;
	[tilespmem:$0x1A400] =	vst v63  }
0xc0: {  	_ =	swait.ge [sflag:s10], $0x5000  }
0xc1: {  	[sflag:s10] =	ssyncset.done $0x0  }
0xc2: {  	s21 =	sadd.s32 $0x1180, s17;
	[sflag:s10] =	ssyncadd.s32 $0xFFFFB000  }
0xc3: {  	[tilespmem:s1], [sflag:$0x4] =	stream.indirect.gather [hbm4b:s3+s11], $0x20, s21, s11, $0xb8;
	[tilespmem:$0x1A400] =	vst v63  }
0xc4: {  	s21 =	sadd.s32 $0x1200, s17  }
0xc5: {  	[tilespmem:s25], [sflag:$0x4] =	stream.indirect.gather [hbm4b:s3+s11], $0x20, s21, s11, $0xb8;
	[tilespmem:$0x1A400] =	vst v63  }
0xc6: {  	s21 =	sadd.s32 $0x1280, s17  }
0xc7: {  	[tilespmem:s12], [sflag:$0x4] =	stream.indirect.gather [hbm4b:s3+s11], $0x20, s21, s11, $0xb8;
	[tilespmem:$0x1A400] =	vst v63  }
0xc8: {  	p0 =	sne.s32 s13, $0x14000;
	s21 =	sadd.s32 $0x1300, s17  }
0xc9: {  	[tilespmem:s28], [sflag:$0x4] =	stream.indirect.gather [hbm4b:s3+s11], $0x20, s21, s11, $0xb8;
	[tilespmem:$0x1A400] =	vst v63  }
.Ltmp0:
0xca: {  	s17 =	sadd.s32 $0x1380, s17;
	s21 =	simm.s32 $0x19400;
	(pc) =	sbr.rel @p0 .LBB2_2-.Ltmp0, $4  }
0xcb: {  	[tilespmem:s21], [sflag:$0x4] =	stream.indirect.gather [hbm4b:s3+s11], $0x20, s17, s11, $0xb8;
	[tilespmem:$0x1A400] =	vst v63  }
0xcc: {  	s19 =	rddreg [dreg:$0x5];
	_ =	swait.ge [sflag:s4], $0x5000  }
0xcd: {  	s13 =	sadd.s32 $0x2800, s13;
	s18 =	simm.s32 $0xB400;
	[sflag:s4] =	ssyncset.done $0x0  }
0xce: {  	s23 =	simm.s32 $0x7400;
	s15 =	sadd.s32 s15, s19;
	[sflag:s4] =	ssyncadd.s32 $0xFFFFB000  }
0xcf: {  	[hbm4b:s15+s2] =	stream.linear.scatter [tilespmem:s18], [sflag:$0x6], $0x5000, $0x38;
	[tilespmem:$0x1A400] =	vst v63  }
0xd0: {  	_ =	swait.ge [sflag:s7], $0x5000  }
0xd1: {  	[sflag:s7] =	ssyncset.done $0x0  }
0xd2: {  	s13 =	rddreg [dreg:$0xa];
	[sflag:s7] =	ssyncadd.s32 $0xFFFFB000  }
0xd3: {  	[hbm4b:s13+s2] =	stream.linear.scatter [tilespmem:s0], [sflag:$0x7], $0x5000, $0x38;
	[tilespmem:$0x1A400] =	vst v63  }
0xd4: {  	_ =	swait.ge [sflag:s8], $0x5000  }
0xd5: {  	[sflag:s8] =	ssyncset.done $0x0  }
0xd6: {  	s25 =	rddreg [dreg:$0xb];
	[sflag:s8] =	ssyncadd.s32 $0xFFFFB000  }
0xd7: {  	[hbm4b:s25+s2] =	stream.linear.scatter [tilespmem:s1], [sflag:$0x8], $0x5000, $0x38;
	[tilespmem:$0x1A400] =	vst v63  }
0xd8: {  	_ =	swait.ge [sflag:s6], $0x5000  }
0xd9: {  	[sflag:s6] =	ssyncset.done $0x0  }
0xda: {  	[sflag:s6] =	ssyncadd.s32 $0xFFFFB000  }
0xdb: {  	_ =	swait.ge [sflag:s5], $0x5000  }
0xdc: {  	[sflag:s5] =	ssyncset.done $0x0  }
0xdd: {  	[sflag:s5] =	ssyncadd.s32 $0xFFFFB000  }
0xde: {  	_ =	swait.ge [sflag:s9], $0x5000  }
0xdf: {  	[sflag:s9] =	ssyncset.done $0x0  }
0xe0: {  	[sflag:s9] =	ssyncadd.s32 $0xFFFFB000  }
0xe1: {  	_ =	swait.ge [sflag:s10], $0x5000  }
0xe2: {  	s15 =	simm.s32 $0x8400;
	s12 =	rddreg [dreg:$0xd]  }
0xe3: {  	s17 =	simm.s32 $0x9400;
	s26 =	rddreg [dreg:$0xc];
	s12 =	sadd.s32 $0x1, s12  }
0xe4: {  	s19 =	simm.s32 $0xA400;
	s14 =	simm.s32 $0xC400;
	p0 =	sne.s32 s12, s26  }
.Ltmp1:
0xe5: {  	s18 =	simm.s32 $0xD400;
	s22 =	simm.s32 $0xE400;
	(pc) =	sbr.rel @p0 .LBB2_1-.Ltmp1, $4  }
0xe6: {  	s20 =	simm.s32 $0x11400;
	s28 =	simm.s32 $0x12400;
	s24 =	simm.s32 $0x13400  }
0xe7: {  	s16 =	simm.s32 $0x14400;
	s21 =	simm.s32 $0x17400;
	s30 =	simm.s32 $0x6400  }
0xe8: {  	s31 =	simm.s32 $0x18400;
	s25 =	simm.s32 $0x16400;
	[sflag:s10] =	ssyncset.done $0x0  }
0xe9: {  	[sflag:s10] =	ssyncadd.s32 $0xFFFFB000;
	[dreg:$0xd] =	wrdreg s12;
	s26 =	simm.s32 $0xF400  }
0xea: {  	_ =	sfence.sel $0x180000  }
0xeb: {  	[bflag:$0x0] =	sbarrier.arrive $0xFFFF  }
0xec: {  	_ =	strace $0x9000004A  }
0xed: {  	s0 =	stileid.u32;
	[bflag:$0x2] =	sbarrier.arrive $0xFFFF  }
0xee: {  	p0 =	sne.s32 s0, $0x0;
	s0 =	rddreg [dreg:$0x2]  }
0xef: {  	s0 =	sadd.s32 @!p0 $0x100000, s0  }
0xf0: {  	[sflag:s0] =	ssyncadd.tile.s32 @!p0 $0x1;
	_ =	shalt  }
.Lfunc_end2:
_tile_overlayer_lowered:
.L_overlay_start_2:
0xf1: {  	(tag) =	ssettag $0x2  }
0xf2: {  	s0 =	rddreg [dreg:$0x0];
	s2 =	stileid.u32  }
0xf3: {  	s1 =	rddreg [dreg:$0x1];
	p0 =	sne.s32 s2, $0x0  }
0xf4: {  	s3 =	rddreg [dreg:$0x2];
	[bflag:$0x3] =	sbarrier.arrive $0xFFFF;
	s2 =	simm.s32 @!p0 $0x1C09  }
0xf5: {  	[timem:s3], [sflag:s2] =	dma.local @!p0 [hbm:s0], s1  }
0xf6: {  	s0 =	simm.s32 @!p0 $0x9  }
0xf7: {  	_ =	swait.ge @!p0 [sflag:s0], s1  }
0xf8: {  	s1 =	ssub.s32 @!p0 $0x0, s1;
	[sflag:s0] =	ssyncset.done @!p0 $0x0  }
0xf9: {  	[sflag:s0] =	ssyncadd.s32 @!p0 s1  }
0xfa: {  	[bflag:$0x3] =	sbarrier.arrive $0xFFFF  }
0xfb: {  	_ =	shalt  }

// kernel: sparse-core-data-format-call.1.cloned.1.call-start
scs
called_computation.1_lowered:
.L_overlay_start_0:
0x0: {  	s1 =	sld [smem:$0x3FD9]  }
0x1: {  	s2 =	sld [smem:$0x3FFE];
	_ =	sdelay $0x1  }
0x2: {  	s3 =	srdreg.scid  }
0x3: {  	s0 =	sand.u32 $0x1, s3  }
0x4: {  	s17 =	sshll.u32 s0, $0xA;
	s1 =	sadd.s32 s2, s1  }
0x5: {  	s1 =	sadd.s32 s1, s17  }
0x6: {  	[smem:$0x3FC6] =	sst s1  }
0x7: {  	_ = 	snop  }
0x8: {  	(tm) =	ssettm $0x1  }
0x9: {  	s18 =	sld [smem:$0x3FFB];
	_ =	sdelay $0x3  }
0xa: {  	_ =	strace s18  }
0xb: {  	s1 =	sld [smem:$0x3FFC];
	_ =	sdelay $0x3  }
0xc: {  	_ =	strace s1  }
0xd: {  	s1 =	sld [smem:$0x3FFD];
	_ =	sdelay $0x3  }
0xe: {  	_ =	strace s1  }
0xf: {  	_ =	strace $0x8FFFFFFF  }
0x10: {  	s19 =	sld [smem:$0x3FDB];
	_ =	sdelay $0x1  }
0x11: {  	s20 =	simm.s32 $_scs_section_size  }
0x12: {  	s4 =	simm.s32 $_size__tile_overlayer_lowered;
	s5 =	simm.s32 $_tile_overlayer_lowered  }
0x13: {  	s23 =	simm.s32 $0x1BFF;
	s22 =	sshll.u32 s5, $0x1;
	s1 =	sadd.s32 s20, s19  }
0x14: {  	s6 =	simm.s32 $0x0;
	s21 =	sshll.u32 s4, $0x1;
	s4 =	sadd.s32 s22, s1  }
0x15: {  	[timem:s6], [sflag:s23] =	dma.local [hbm:s4], s21  }
0x16: {  	_ =	swait.ge [sflag:s23], s21  }
0x17: {  	s2 =	ssub.s32 $0x0, s21;
	[sflag:s23] =	ssyncset.done $0x0  }
0x18: {  	[sflag:s23] =	ssyncadd.s32 s2;
	_ =	sdelay $0x1  }
0x19: {  	s24 =	simm.s32 $0x1B8B  }
0x1a: {  	_ =	swait.ge [sflag:s24], $0x1  }
0x1b: {  	[sflag:s24] =	ssyncset.done $0x0  }
0x1c: {  	s26 =	simm.s32 $0x1B8E;
	s25 =	sld [smem:$0x3FFE];
	[sflag:s24] =	ssyncadd.s32 $0xFFFFFFFF  }
0x1d: {  	s27 =	simm.s32 $execute0_lowered;
	[smem:$0x3FD2] =	sst s26  }
0x1e: {  	s4 =	sshll.u32 s27, $0x1;
	_ =	strace $0x80000046;
	[dreg:$0x1] =	wrdreg $0xFFFFFFFF  }
0x1f: {  	s28 =	simm.s32 $_size_execute0_lowered;
	s1 =	sadd.s32 s1, s4;
	[dreg:$0x0] =	wrdreg $0x0  }
0x20: {  	s4 =	sshll.u32 s28, $0x1;
	[dreg:$0x2] =	wrdreg s1  }
0x21: {  	[dreg:$0x3] =	wrdreg s4  }
0x22: {  	[dreg:$0x4] =	wrdreg $0xC0  }
0x23: {  	_ =	task [dreg:s6], $0x5FFFF  }
0x24: {  	[dreg:$0x1] =	wrdreg $0xFFFFFFFF  }
0x25: {  	[dreg:$0x0] =	wrdreg $0x60  }
0x26: {  	[dreg:$0x2] =	wrdreg s25  }
0x27: {  	[dreg:$0x3] =	wrdreg $0x9  }
0x28: {  	_ =	task.clear_ibuf [dreg:s6], $0x4FFFF;
	_ =	strace $0x90000046  }
0x29: {  	s29 =	simm.s32 $0x9;
	_ =	strace $0x80000048  }
0x2a: {  	_ =	swait.ge [sflag:s29], $0x1  }
0x2b: {  	[sflag:s29] =	ssyncadd.s32 $0xFFFFFFFF  }
0x2c: {  	_ =	strace $0x90000048  }
0x2d: {  	_ =	sfence  }
0x2e: {  	s30 =	sld [smem:$0x0];
	_ =	sdelay $0x2  }
0x2f: {  	s31 =	sshll.u32 s3, $0xD;
	s3 =	sshrl.u32 s3, $0x2  }
0x30: {  	s2 =	sand.u32 $0x4000, s31;
	s1 =	sadd.s32 s3, s30  }
0x31: {  	s0 =	sor.u32 s2, s0;
	s1 =	sshll.u32 s1, $0x11  }
0x32: {  	s0 =	sor.u32 s1, s0  }
0x33: {  	s0 =	sadd.s32 $0x8F2B, s0  }
0x34: {  	[sflag:s0] =	ssyncadd.remote.s32 $0x1  }
0x35: {  	_ =	sfence.sel $0xFFFF  }
0x36: {  	[dreg:$0x0] =	wrdreg $0xFFFFFFFF;
	(pc) =	sbr.abs _section_cstart, $3  }
0x37: {  	[dreg:$0x1] =	wrdreg $0xFFFFFFFF  }
0x38: {  	_ =	task.clear_ibuf [dreg:s6], $0x2FFFF;
	_ =	strace $0x9FFFFFFF  }
0x39: {  	(tm) =	ssettm $0x7FFFFFFF  }
tec
execute0_lowered:
.L_overlay_start_1:
0x0: {  	(tag) =	ssettag $0x1  }
0x1: {  	s0 =	srdreg.scid  }
0x2: {  	s5 =	rddreg [dreg:$0x0];
	s1 =	stileid.u32;
	s4 =	simm.s32 $0x1  }
0x3: {  	s6 =	simm.s32 $0x2;
	s8 =	simm.s32 $0x0;
	s2 =	sshll.u32 s0, $0x4  }
0x4: {  	s9 =	simm.s32 $0x0;
	s13 =	simm.s32 $0x0;
	s2 =	sand.u32 $0x10, s2  }
.Ltmp0:
0x5: {  	s10 =	simm.s32 $0x0;
	s3 =	sor.u32 s1, s2;
	(pc) =	sbr.rel .LBB1_1-.Ltmp0, $4  }
0x6: {  	s0 =	rddreg [dreg:$0x1];
	_ =	strace $0x80000047;
	s3 =	sshll.u32 s3, $0x4  }
0x7: {  	s12 =	simm.s32 $0x0;
	[sflag:s4] =	ssyncpa.u1 $0x0;
	s7 =	ssub.s32 $0x7A10, s3  }
0x8: {  	s2 =	sadd.s32 $0xE00, s5;
	[sflag:s6] =	ssyncpa.u1 $0x0;
	s6 =	sshrl.u32 s7, $0x9  }
0x9: {  	s5 =	sadd.s32 $0x3D1800, s5;
	s11 =	smov.u32 s3;
	s7 =	sor.u32 $0x2, s6  }
.LBB1_7:
0xa: {  	s15 =	sshll.u32 s12, $0xF  }
0xb: {  	s15 =	sand.u32 $0x8000, s15  }
0xc: {  	s16 =	sshll.u32 s10, $0x7;
	s15 =	sshrl.u32 s15, $0x1  }
0xd: {  	s16 =	sadd.s32 s5, s16;
	s15 =	sor.u32 $0x8000, s15  }
0xe: {  	[hbm4b:s16+s8] =	stream.linear.scatter [tilespmem:s15], [sflag:$0x2], s14, $0x38;
	[tilespmem:$0x10000] =	vst v63  }
.LBB1_8:
0xf: {  	p0 =	slt.u32 s12, $0x2  }
0x10: {  	p1 =	sgt.s32 @!p0 s13, $0x7A02  }
0x11: {  	s14 =	smov.u32 s13;
	s15 =	sshra.s32 @!p0 s13, $0x1F;
	p1 =	por !p1, p0  }
0x12: {  	s13 =	sand.u32 @!p0 s15, s13;
	s14 =	simm.s32 @p1 $0x7A02  }
0x13: {  	s13 =	ssub.s32 @!p0 s14, s13  }
0x14: {  	s13 =	sadd.s32 @!p0 $0xFFFF85FE, s13  }
0x15: {  	s14 =	sshll.u32 @!p0 s13, $0xC  }
0x16: {  	p1 =	sgt.s32 @!p0 s13, $0xF;
	s13 =	ssub.s32 @!p0 $0x10000, s14  }
0x17: {  	s15 =	sadd.s32 $0x200, s11;
	p1 =	por !p1, p0;
	s13 =	sshrl.u32 @!p0 s13, $0x2  }
0x18: {  	s13 =	simm.s32 @!p1 $0x0;
	p1 =	sgt.s32 s15, $0x7A11  }
0x19: {  	s15 =	smov.u32 @p1 s3;
	p1 =	sne.s32 s12, s7  }
.Ltmp1:
0x1a: {  	_ = 	snop;
	(pc) =	sbr.rel @!p1 .LBB1_9-.Ltmp1, $4  }
0x1b: {  	s14 =	simm.s32 @!p0 $0x2  }
0x1c: {  	s9 =	sadd.s32 $0x8000, s9;
	_ =	swait.ge @!p0 [sflag:s14], s13;
	s16 =	ssub.s32 @!p0 $0x0, s13  }
0x1d: {  	s13 =	smov.u32 s10;
	s12 =	sadd.s32 $0x1, s12;
	[sflag:s14] =	ssyncset.done @!p0 $0x0  }
0x1e: {  	s10 =	smov.u32 s11;
	s11 =	smov.u32 s15;
	[sflag:s14] =	ssyncadd.s32 @!p0 s16  }
.LBB1_1:
0x1f: {  	p0 =	sgt.u32 s12, s6  }
0x20: {  	p1 =	sgt.s32 @!p0 s11, $0x7A02  }
0x21: {  	s14 =	smov.u32 s11;
	s15 =	sshra.s32 @!p0 s11, $0x1F;
	p1 =	por !p1, p0  }
0x22: {  	s15 =	sand.u32 @!p0 s15, s11;
	s14 =	simm.s32 @p1 $0x7A02  }
0x23: {  	s14 =	ssub.s32 @!p0 s14, s15  }
0x24: {  	s14 =	sadd.s32 @!p0 $0xFFFF85FE, s14  }
0x25: {  	s16 =	sshll.u32 @!p0 s11, $0x7;
	s17 =	simm.s32 @!p0 $0x0;
	s15 =	sshll.u32 @!p0 s14, $0xC  }
0x26: {  	p1 =	sgt.s32 @!p0 s14, $0xF;
	s14 =	ssub.s32 @!p0 $0x10000, s15;
	s15 =	sxor.u32 @!p0 $0xFFFFFFFF, s12  }
0x27: {  	p1 =	por !p1, p0;
	s14 =	sshrl.u32 @!p0 s14, $0x2;
	s15 =	sshll.u32 @!p0 s15, $0xE  }
0x28: {  	s16 =	sadd.s32 @!p0 s2, s16;
	s14 =	simm.s32 @!p1 $0x0;
	s15 =	sand.u32 @!p0 $0x4000, s15  }
0x29: {  	[tilespmem:s15], [sflag:$0x1] =	stream.linear.gather @!p0 [hbm4b:s16+s17], s14, $0x38;
	[tilespmem:$0x10000] =	vst v63  }
0x2a: {  	p0 =	seq.s32 s12, $0x0  }
0x2b: {  	p1 =	sge.u32 @!p0 s12, s7  }
0x2c: {  	p0 =	por p0, p1  }
.Ltmp2:
0x2d: {  	_ = 	snop;
	(pc) =	sbr.rel @p0 .LBB1_8-.Ltmp2, $1  }
0x2e: {  	_ =	sdelay $0x3  }
0x2f: {  	p0 =	sgt.s32 s10, $0x7A02;
	s14 =	smov.u32 s10;
	s15 =	sshra.s32 s10, $0x1F  }
0x30: {  	s14 =	simm.s32 @!p0 $0x7A02;
	s15 =	sand.u32 s15, s10  }
0x31: {  	s14 =	ssub.s32 s14, s15  }
0x32: {  	s16 =	sadd.s32 $0x10, s10;
	s14 =	sadd.s32 $0xFFFF85FE, s14  }
0x33: {  	p1 =	slt.s32 s16, $0x7A12;
	s30 =	sshll.u32 s14, $0xC  }
0x34: {  	s16 =	simm.s32 @!p1 $0x7A12;
	s15 =	ssub.s32 $0x10000, s30  }
0x35: {  	p0 =	sgt.s32 s14, $0xF;
	s14 =	sshrl.u32 s15, $0x2;
	s15 =	ssub.s32 s16, s10  }
0x36: {  	s14 =	simm.s32 @p0 $0x0;
	p0 =	slt.s32 s15, $0x1  }
.Ltmp3:
0x37: {  	_ = 	snop;
	(pc) =	sbr.rel @p0 .LBB1_7-.Ltmp3, $4  }
0x38: {  	_ = 	snop  }
0x39: {  	_ =	swait.ge [sflag:s4], s14  }
0x3a: {  	s31 =	ssub.s32 $0x0, s14;
	[sflag:s4] =	ssyncset.done $0x0  }
0x3b: {  	[sflag:s4] =	ssyncadd.s32 s31  }
0x3c: {  	s16 =	sshrl.u32 s9, $0x1  }
0x3d: {  	s17 =	sand.u32 $0x4000, s16  }
0x3e: {  	s18 =	simm.s32 $0x0;
	s16 =	sor.u32 $0x200, s17;
	s17 =	sor.u32 $0x8080, s17  }
.LBB1_4:
0x3f: {  	v0 =	vld [tilespmem:s16+$0xFFFFFE70]  }
0x40: {  	v1 =	vld [tilespmem:s16+$0x70]  }
0x41: {  	v2 =	vld [tilespmem:s16+$0x0]  }
0x42: {  	v3 =	vld [tilespmem:s16+$0xFFFFFE10]  }
0x43: {  	v4 =	vld [tilespmem:s16+$0x10]  }
0x44: {  	v5 =	vld [tilespmem:s16+$0xFFFFFE20]  }
0x45: {  	v7 =	vld [tilespmem:s16+$0x20]  }
0x46: {  	v11 =	vld [tilespmem:s16+$0x30];
	v6 =	vunpack.i.l.s16.s32 v0;
	v8 =	vunpack.i.u.s16.s32 v0;
	v9 =	vunpack.i.u.s16.s32 v1  }
0x47: {  	v10 =	vunpack.i.l.s16.s32 v1;
	v0 =	vunpack.i.u.s16.s32 v2;
	v1 =	vunpack.i.l.s16.s32 v2;
	v2 =	vld [tilespmem:s16+$0xFFFFFE30]  }
0x48: {  	v8 =	vpack.i.b32.b16 v9, v8;
	v9 =	vunpack.i.u.s16.s32 v3;
	v3 =	vunpack.i.l.s16.s32 v3  }
0x49: {  	v12 =	vld [tilespmem:s16+$0xFFFFFE40];
	v6 =	vpack.i.b32.b16 v10, v6;
	[tilespmem:s17+$0x70] =	vst v8;
	v8 =	vunpack.i.u.s16.s32 v4;
	v4 =	vunpack.i.l.s16.s32 v4  }
0x4a: {  	v13 =	vld [tilespmem:s16+$0x40];
	v10 =	vunpack.i.u.s16.s32 v5;
	v5 =	vunpack.i.l.s16.s32 v5;
	[tilespmem:s17+$0xFFFFFFF0] =	vst v6;
	v3 =	vpack.i.b32.b16 v4, v3  }
0x4b: {  	v6 =	vunpack.i.l.s16.s32 v7;
	v4 =	vld [tilespmem:s16+$0xFFFFFE50];
	[tilespmem:s17+$0xFFFFFF90] =	vst v3;
	v3 =	vpack.i.b32.b16 v8, v9;
	v8 =	vunpack.i.u.s16.s32 v7  }
0x4c: {  	v7 =	vunpack.i.l.s16.s32 v11;
	[tilespmem:s17+$0x10] =	vst v3;
	v3 =	vpack.i.b32.b16 v6, v5;
	v9 =	vunpack.i.u.s16.s32 v2;
	v6 =	vld [tilespmem:s16+$0x50]  }
0x4d: {  	v5 =	vunpack.i.l.s16.s32 v2;
	v2 =	vld [tilespmem:s16+$0xFFFFFE60];
	[tilespmem:s17+$0xFFFFFFA0] =	vst v3;
	v3 =	vpack.i.b32.b16 v8, v10;
	v10 =	vunpack.i.u.s16.s32 v11  }
0x4e: {  	s21 =	simm.s32 $0x0;
	v11 =	vpack.i.b32.b16 v7, v5;
	v7 =	vunpack.i.u.s16.s32 v12;
	v8 =	vunpack.i.l.s16.s32 v12;
	[tilespmem:s17+$0x20] =	vst v3;
	v3 =	vld [tilespmem:s16+$0x60]  }
0x4f: {  	s22 =	sadd.s32 $0x80, s16;
	s20 =	smov.u32 s17;
	s19 =	smov.u32 s17;
	v5 =	vld [tilespmem:s16+$0xFFFFFE00];
	[tilespmem:s17+$0xFFFFFFB0] =	vst v11;
	v10 =	vpack.i.b32.b16 v10, v9;
	v9 =	vunpack.i.u.s16.s32 v13;
	v11 =	vunpack.i.l.s16.s32 v13  }
.LBB1_5:
0x50: {  	v12 =	vld [tilespmem:s22+$0xFFFFFE70];
	[tilespmem:s20+$0x30] =	vst v10;
	v8 =	vpack.i.b32.b16 v11, v8;
	v10 =	vunpack.i.u.s16.s32 v4;
	v4 =	vunpack.i.l.s16.s32 v4  }
0x51: {  	s21 =	sadd.s32 $0x2, s21;
	v7 =	vpack.i.b32.b16 v9, v7;
	v11 =	vld [tilespmem:s22+$0x70];
	[tilespmem:s20+$0xFFFFFFC0] =	vst v8;
	v8 =	vunpack.i.u.s16.s32 v6;
	v6 =	vunpack.i.l.s16.s32 v6  }
0x52: {  	p0 =	slt.u32 s21, $0x6;
	v9 =	vld [tilespmem:s22+$0x0];
	[tilespmem:s20+$0x40] =	vst v7;
	v4 =	vpack.i.b32.b16 v6, v4;
	v6 =	vunpack.i.u.s16.s32 v2;
	v2 =	vunpack.i.l.s16.s32 v2  }
0x53: {  	v7 =	vld [tilespmem:s22+$0xFFFFFE10];
	[tilespmem:s20+$0xFFFFFFD0] =	vst v4;
	v4 =	vpack.i.b32.b16 v8, v10;
	v8 =	vunpack.i.u.s16.s32 v3;
	v3 =	vunpack.i.l.s16.s32 v3  }
0x54: {  	v10 =	vld [tilespmem:s22+$0x10];
	v13 =	vunpack.i.u.s16.s32 v5;
	v5 =	vunpack.i.l.s16.s32 v5;
	[tilespmem:s20+$0x50] =	vst v4;
	v2 =	vpack.i.b32.b16 v3, v2  }
0x55: {  	v3 =	vld [tilespmem:s22+$0xFFFFFE20];
	v4 =	vunpack.i.l.s16.s32 v12;
	v1 =	vpack.i.b32.b16 v1, v5;
	v5 =	vpack.i.b32.b16 v0, v13;
	[tilespmem:s20+$0xFFFFFFE0] =	vst v2  }
0x56: {  	v12 =	vunpack.i.u.s16.s32 v12;
	v2 =	vld [tilespmem:s22+$0x20];
	v13 =	vunpack.i.u.s16.s32 v11;
	v11 =	vunpack.i.l.s16.s32 v11;
	[tilespmem:s20+$0xFFFFFF80] =	vst v1  }
0x57: {  	s20 =	sadd.s32 $0x100, s20;
	v0 =	vunpack.i.u.s16.s32 v9;
	v1 =	vunpack.i.l.s16.s32 v9;
	v9 =	vld [tilespmem:s22+$0xFFFFFE30];
	v12 =	vpack.i.b32.b16 v13, v12;
	[tilespmem:s19+$0x0] =	vst v5  }
0x58: {  	v6 =	vpack.i.b32.b16 v8, v6;
	v5 =	vunpack.i.u.s16.s32 v7;
	v7 =	vunpack.i.l.s16.s32 v7;
	v13 =	vld [tilespmem:s22+$0x30];
	[tilespmem:s20+$0x70] =	vst v12  }
0x59: {  	v4 =	vpack.i.b32.b16 v11, v4;
	v8 =	vunpack.i.u.s16.s32 v10;
	v10 =	vunpack.i.l.s16.s32 v10;
	v12 =	vld [tilespmem:s22+$0xFFFFFE40];
	[tilespmem:s19+$0x60] =	vst v6;
	s19 =	smov.u32 s20  }
0x5a: {  	v6 =	vpack.i.b32.b16 v10, v7;
	v7 =	vunpack.i.u.s16.s32 v3;
	v3 =	vunpack.i.l.s16.s32 v3;
	v11 =	vld [tilespmem:s22+$0x40];
	[tilespmem:s20+$0xFFFFFFF0] =	vst v4  }
.Ltmp4:
0x5b: {  	v5 =	vpack.i.b32.b16 v8, v5;
	[tilespmem:s20+$0xFFFFFF90] =	vst v6;
	v8 =	vunpack.i.u.s16.s32 v2;
	v2 =	vunpack.i.l.s16.s32 v2;
	v4 =	vld [tilespmem:s22+$0xFFFFFE50];
	(pc) =	sbr.rel @p0 .LBB1_5-.Ltmp4, $4  }
0x5c: {  	[tilespmem:s20+$0x10] =	vst v5;
	v2 =	vpack.i.b32.b16 v2, v3;
	v10 =	vunpack.i.u.s16.s32 v9;
	v3 =	vunpack.i.l.s16.s32 v9;
	v6 =	vld [tilespmem:s22+$0x50]  }
0x5d: {  	v5 =	vpack.i.b32.b16 v8, v7;
	[tilespmem:s20+$0xFFFFFFA0] =	vst v2;
	v9 =	vunpack.i.u.s16.s32 v13;
	v7 =	vunpack.i.l.s16.s32 v13;
	v2 =	vld [tilespmem:s22+$0xFFFFFE60]  }
0x5e: {  	[tilespmem:s20+$0x20] =	vst v5;
	v13 =	vpack.i.b32.b16 v7, v3;
	v7 =	vunpack.i.u.s16.s32 v12;
	v8 =	vunpack.i.l.s16.s32 v12;
	v3 =	vld [tilespmem:s22+$0x60]  }
0x5f: {  	v10 =	vpack.i.b32.b16 v9, v10;
	v5 =	vld [tilespmem:s22+$0xFFFFFE00];
	[tilespmem:s20+$0xFFFFFFB0] =	vst v13;
	v9 =	vunpack.i.u.s16.s32 v11;
	v11 =	vunpack.i.l.s16.s32 v11;
	s22 =	sadd.s32 $0x80, s22  }
0x60: {  	[tilespmem:s20+$0x30] =	vst v10;
	v8 =	vpack.i.b32.b16 v11, v8  }
0x61: {  	v51 =	vunpack.i.l.s16.s32 v4;
	v7 =	vpack.i.b32.b16 v9, v7;
	[tilespmem:s20+$0xFFFFFFC0] =	vst v8;
	v52 =	vunpack.i.l.s16.s32 v6  }
0x62: {  	v53 =	vunpack.i.u.s16.s32 v4;
	s18 =	sadd.s32 $0x1, s18;
	v54 =	vunpack.i.u.s16.s32 v6;
	[tilespmem:s20+$0x40] =	vst v7;
	v55 =	vpack.i.b32.b16 v52, v51  }
0x63: {  	p0 =	sne.s32 s18, s15;
	v56 =	vunpack.i.l.s16.s32 v2;
	v4 =	vpack.i.b32.b16 v54, v53;
	[tilespmem:s20+$0xFFFFFFD0] =	vst v55;
	v57 =	vunpack.i.l.s16.s32 v3  }
.Ltmp5:
0x64: {  	[tilespmem:s20+$0x50] =	vst v4;
	v58 =	vunpack.i.l.s16.s32 v5;
	v59 =	vpack.i.b32.b16 v57, v56;
	(pc) =	sbr.rel @p0 .LBB1_4-.Ltmp5, $4  }
.Ltmp6:
0x65: {  	v61 =	vunpack.i.u.s16.s32 v2;
	v62 =	vunpack.i.u.s16.s32 v3;
	v1 =	vpack.i.b32.b16 v1, v58;
	[tilespmem:s20+$0xFFFFFFE0] =	vst v59;
	(pc) =	sbr.rel @!p0 .LBB1_7-.Ltmp6, $4  }
0x66: {  	v60 =	vunpack.i.u.s16.s32 v5;
	v63 =	vpack.i.b32.b16 v62, v61;
	[tilespmem:s20+$0xFFFFFF80] =	vst v1  }
0x67: {  	v0 =	vpack.i.b32.b16 v0, v60;
	[tilespmem:s19+$0x60] =	vst v63  }
0x68: {  	s16 =	sadd.s32 $0x400, s16;
	s17 =	sadd.s32 $0x400, s17;
	[tilespmem:s19+$0x0] =	vst v0  }
0x69: {  	_ = 	snop  }
.LBB1_9:
0x6a: {  	_ =	sfence.sel $0x180000  }
0x6b: {  	s2 =	simm.s32 $0x1;
	[bflag:$0x0] =	sbarrier.arrive $0xFFFF  }
0x6c: {  	s31 =	simm.s32 $0x2;
	[sflag:s2] =	ssyncpa.u1 $0x1  }
0x6d: {  	[sflag:s31] =	ssyncpa.u1 $0x1  }
0x6e: {  	p0 =	sne.s32 s1, $0x0;
	_ =	strace $0x90000047  }
0x6f: {  	s0 =	sadd.s32 @!p0 $0x100000, s0;
	[bflag:$0x2] =	sbarrier.arrive $0xFFFF  }
0x70: {  	[sflag:s0] =	ssyncadd.tile.s32 @!p0 $0x1;
	_ =	shalt  }
.Lfunc_end1:
_tile_overlayer_lowered:
.L_overlay_start_2:
0x71: {  	(tag) =	ssettag $0x2  }
0x72: {  	s0 =	rddreg [dreg:$0x0];
	s2 =	stileid.u32  }
0x73: {  	s1 =	rddreg [dreg:$0x1];
	p0 =	sne.s32 s2, $0x0  }
0x74: {  	s3 =	rddreg [dreg:$0x2];
	[bflag:$0x3] =	sbarrier.arrive $0xFFFF;
	s2 =	simm.s32 @!p0 $0x1C01  }
0x75: {  	[timem:s3], [sflag:s2] =	dma.local @!p0 [hbm:s0], s1  }
0x76: {  	s0 =	simm.s32 @!p0 $0x1  }
0x77: {  	_ =	swait.ge @!p0 [sflag:s0], s1  }
0x78: {  	s1 =	ssub.s32 @!p0 $0x0, s1;
	[sflag:s0] =	ssyncset.done @!p0 $0x0  }
0x79: {  	[sflag:s0] =	ssyncadd.s32 @!p0 s1  }
0x7a: {  	[bflag:$0x3] =	sbarrier.arrive $0xFFFF  }
0x7b: {  	_ =	shalt  }

// kernel: sparse-core-data-format-call.cloned.1.call-start
scs
called_computation_lowered:
.L_overlay_start_0:
0x0: {  	s2 =	sld [smem:$0x3FD9]  }
0x1: {  	s3 =	sld [smem:$0x3FFE];
	_ =	sdelay $0x1  }
0x2: {  	s1 =	srdreg.scid  }
0x3: {  	s0 =	sand.u32 $0x1, s1  }
0x4: {  	s18 =	sshll.u32 s0, $0xA;
	s2 =	sadd.s32 s3, s2  }
0x5: {  	s2 =	sadd.s32 s2, s18  }
0x6: {  	[smem:$0x3FC6] =	sst s2  }
0x7: {  	_ = 	snop  }
0x8: {  	s2 =	sld [smem:$0x3FD0];
	(tm) =	ssettm $0x1  }
0x9: {  	s19 =	sld [smem:$0x3FFB];
	_ =	sdelay $0x3  }
0xa: {  	_ =	strace s19  }
0xb: {  	s3 =	sld [smem:$0x3FFC];
	_ =	sdelay $0x3  }
0xc: {  	_ =	strace s3  }
0xd: {  	s3 =	sld [smem:$0x3FFD];
	_ =	sdelay $0x3  }
0xe: {  	_ =	strace s3  }
0xf: {  	_ =	strace $0x8FFFFFFF  }
0x10: {  	s20 =	sld [smem:$0x3FDB];
	_ =	sdelay $0x1  }
0x11: {  	s4 =	simm.s32 $_scs_section_size  }
0x12: {  	s5 =	simm.s32 $_size__tile_overlayer_lowered;
	s6 =	simm.s32 $_tile_overlayer_lowered  }
0x13: {  	s23 =	simm.s32 $0x1BFF;
	s22 =	sshll.u32 s6, $0x1;
	s3 =	sadd.s32 s4, s20  }
0x14: {  	s7 =	simm.s32 $0x0;
	s21 =	sshll.u32 s5, $0x1;
	s5 =	sadd.s32 s22, s3  }
0x15: {  	[timem:s7], [sflag:s23] =	dma.local [hbm:s5], s21  }
0x16: {  	_ =	swait.ge [sflag:s23], s21  }
0x17: {  	s4 =	ssub.s32 $0x0, s21;
	[sflag:s23] =	ssyncset.done $0x0  }
0x18: {  	[sflag:s23] =	ssyncadd.s32 s4;
	_ =	sdelay $0x1  }
0x19: {  	s24 =	simm.s32 $0x1B8B  }
0x1a: {  	_ =	swait.ge [sflag:s24], $0x1  }
0x1b: {  	[sflag:s24] =	ssyncset.done $0x0  }
0x1c: {  	s26 =	simm.s32 $0x1B8E;
	s25 =	sld [smem:$0x3FFE];
	[sflag:s24] =	ssyncadd.s32 $0xFFFFFFFF  }
0x1d: {  	s27 =	simm.s32 $execute0_lowered;
	[smem:$0x3FD2] =	sst s26  }
0x1e: {  	s5 =	sshll.u32 s27, $0x1;
	_ =	strace $0x8000004C;
	[dreg:$0x1] =	wrdreg $0xFFFFFFFF  }
0x1f: {  	s28 =	simm.s32 $_size_execute0_lowered;
	s3 =	sadd.s32 s3, s5;
	[dreg:$0x0] =	wrdreg $0x0  }
0x20: {  	s5 =	sshll.u32 s28, $0x1;
	[dreg:$0x2] =	wrdreg s3  }
0x21: {  	[dreg:$0x3] =	wrdreg s5  }
0x22: {  	[dreg:$0x4] =	wrdreg $0xC0  }
0x23: {  	_ =	task [dreg:s7], $0x5FFFF  }
0x24: {  	[dreg:$0x1] =	wrdreg $0xFFFFFFFF  }
0x25: {  	[dreg:$0x0] =	wrdreg $0x60  }
0x26: {  	[dreg:$0x2] =	wrdreg s25  }
0x27: {  	[dreg:$0x3] =	wrdreg s2  }
0x28: {  	[dreg:$0x4] =	wrdreg $0x9  }
0x29: {  	_ =	task.clear_ibuf [dreg:s7], $0x5FFFF;
	_ =	strace $0x9000004C  }
0x2a: {  	s29 =	simm.s32 $0x9;
	_ =	strace $0x8000004E  }
0x2b: {  	_ =	swait.ge [sflag:s29], $0x1  }
0x2c: {  	[sflag:s29] =	ssyncadd.s32 $0xFFFFFFFF  }
0x2d: {  	_ =	strace $0x9000004E  }
0x2e: {  	_ =	sfence  }
0x2f: {  	s30 =	sld [smem:$0x0];
	_ =	sdelay $0x2  }
0x30: {  	s31 =	sshll.u32 s1, $0xD;
	s1 =	sshrl.u32 s1, $0x2  }
0x31: {  	s3 =	sand.u32 $0x4000, s31;
	s1 =	sadd.s32 s1, s30  }
0x32: {  	s0 =	sor.u32 s3, s0;
	s1 =	sshll.u32 s1, $0x11  }
0x33: {  	s0 =	sor.u32 s1, s0  }
0x34: {  	s0 =	sadd.s32 $0x8F2B, s0  }
0x35: {  	[sflag:s0] =	ssyncadd.remote.s32 $0x1  }
0x36: {  	_ =	sfence.sel $0xFFFF  }
0x37: {  	[dreg:$0x0] =	wrdreg $0xFFFFFFFF;
	(pc) =	sbr.abs _section_cstart, $3  }
0x38: {  	[dreg:$0x1] =	wrdreg $0xFFFFFFFF  }
0x39: {  	_ =	task.clear_ibuf [dreg:s7], $0x2FFFF;
	_ =	strace $0x9FFFFFFF  }
0x3a: {  	(tm) =	ssettm $0x7FFFFFFF  }
0x3b: {  	_ =	shalt  }
tec
execute0_lowered:
.L_overlay_start_1:
0x0: {  	(tag) =	ssettag $0x1  }
0x1: {  	s0 =	srdreg.scid  }
0x2: {  	s1 =	sshll.u32 s0, $0x4  }
0x3: {  	s0 =	stileid.u32;
	s1 =	sand.u32 $0x10, s1  }
0x4: {  	s1 =	sor.u32 s0, s1  }
0x5: {  	s6 =	rddreg [dreg:$0x0];
	s4 =	simm.s32 $0x1;
	s2 =	sshll.u32 s1, $0x7  }
0x6: {  	s7 =	simm.s32 $0x2;
	s13 =	simm.s32 $0x0;
	s1 =	ssub.s32 $0x1000, s2  }
0x7: {  	s8 =	simm.s32 $0x4000;
	s12 =	simm.s32 $0x0;
	s3 =	sand.u32 $0xF80, s1  }
0x8: {  	s9 =	simm.s32 $0x0;
	s5 =	sshrl.u32 s1, $0xC;
	p0 =	sne.s32 s3, $0x0  }
.Ltmp0:
0x9: {  	s1 =	rddreg [dreg:$0x2];
	s4 =	simm.s32 @!p0 $0x0;
	(pc) =	sbr.rel .LBB1_1-.Ltmp0, $4  }
0xa: {  	s11 =	simm.s32 $0x0;
	s3 =	rddreg [dreg:$0x1];
	s5 =	sadd.s32 s4, s5  }
0xb: {  	_ =	strace $0x8000004D;
	s4 =	simm.s32 $0x1;
	s5 =	smul.u32 $0x64, s5  }
0xc: {  	s6 =	sadd.s32 $0x320E00, s6;
	s10 =	smov.u32 s2;
	[sflag:s4] =	ssyncpa.u1 $0x0  }
0xd: {  	p0 =	por $0x0, $0x0;
	[sflag:s7] =	ssyncpa.u1 $0x0;
	s7 =	sor.u32 $0x1, s5  }
.LBB1_4:
0xe: {  	v1 =	vperm.xlane.i2c.b16 v1;
	v0 =	vperm.xlane.i2c.b16 v0  }
0xf: {  	v2 =	vperm.xlane.i2c.b16 v2;
	v3 =	vperm.xlane.i2c.b16 v3  }
0x10: {  	[tilespmem:s16+$0x0 ss:$0x81] =	vst.msk $0xffff, v5;
	s17 =	sshra.s32 s17, $0x2;
	s18 =	sshll.u32 s12, $0x3;
	s19 =	sshll.u32 s12, $0x1;
	v62 =	vcombine.low v0, v1  }
0x11: {  	s13 =	sshll.u32 s13, $0xE;
	s30 =	sshrl.u32 s12, $0x1;
	[tilespmem:s16+$0x1020 ss:$0x81] =	vst.msk $0xffff, v4;
	s15 =	sadd.s32 s17, s15;
	v63 =	vcombine.low v3, v2  }
0x12: {  	s31 =	sand.u32 $0x7, s12;
	s28 =	sand.u32 $0xF0, s19;
	s29 =	sand.u32 $0xC00, s18;
	v0 =	vcombine.high v0, v1;
	[tilespmem:s15+$0x810 ss:$0x81] =	vst.msk $0xffff, v62  }
0x13: {  	s17 =	sand.u32 $0x3F00, s30;
	s13 =	sadd.s32 s3, s13;
	s16 =	sor.u32 s28, s29;
	v2 =	vcombine.high v3, v2;
	[tilespmem:s15+$0x0 ss:$0x81] =	vst.msk $0xffff, v63  }
0x14: {  	s12 =	sshll.u32 s31, $0x12;
	s13 =	sadd.s32 s17, s13;
	s16 =	sshrl.u32 s16, $0x4;
	[tilespmem:s15+$0x1830 ss:$0x81] =	vst.msk $0xffff, v0  }
0x15: {  	s12 =	sor.u32 $0x200, s12;
	s13 =	sadd.s32 s16, s13;
	[tilespmem:s15+$0x1020 ss:$0x81] =	vst.msk $0xffff, v2  }
0x16: {  	[hbm4b:s13+s12] =	stream.strided.scatter [tilespmem:s14], [sflag:$0x2], $0x2000, s8, s12, $0x20;
	[tilespmem:$0x8080] =	vst v63  }
.LBB1_5:
0x17: {  	s14 =	sadd.s32 $0x2, s9  }
0x18: {  	s12 =	sadd.s32 $0x1000, s10;
	s16 =	smov.u32 s10;
	p2 =	sgt.s32 s14, $0xC7  }
0x19: {  	s16 =	smov.u32 @p2 s12  }
0x1a: {  	s14 =	simm.s32 @p2 $0x0;
	p2 =	sgt.s32 s16, $0xFFF  }
0x1b: {  	s16 =	smov.u32 @p2 s2;
	p2 =	sne.s32 s11, s7  }
.Ltmp1:
0x1c: {  	p1 =	slt.u32 s11, $0x2;
	(pc) =	sbr.rel @!p2 .LBB1_6-.Ltmp1, $4  }
0x1d: {  	s15 =	simm.s32 @!p1 $0x2  }
0x1e: {  	s13 =	smov.u32 s9;
	p0 =	por !p0, !p0;
	_ =	swait.ge @!p1 [sflag:s15], $0x2000  }
0x1f: {  	s12 =	smov.u32 s10;
	[sflag:s15] =	ssyncset.done @!p1 $0x0;
	s9 =	smov.u32 s14  }
0x20: {  	s11 =	sadd.s32 $0x1, s11;
	[sflag:s15] =	ssyncadd.s32 @!p1 $0xFFFFE000;
	s10 =	smov.u32 s16  }
.LBB1_1:
0x21: {  	p1 =	sge.u32 s11, s5  }
0x22: {  	s14 =	sand.u32 @!p1 $0x1FFFFFE, s9  }
0x23: {  	s15 =	smulhi.u32 @!p1 $0x147AE15, s14;
	_ =	sdelay $0x1  }
0x24: {  	s15 =	smul.u32 @!p1 $0xC8, s15  }
0x25: {  	s31 =	sadd.s32 $0xFFFFFFFF, s11;
	s16 =	smul.u32 @!p1 $0x640, s10  }
0x26: {  	s17 =	simm.s32 @!p1 $0x3200;
	s14 =	ssub.s32 @!p1 s14, s15;
	s15 =	sxor.u32 @!p1 $0xFFFFFFFF, s11  }
0x27: {  	s16 =	sadd.s32 @!p1 s6, s16;
	s14 =	sshll.u32 @!p1 s14, $0x3;
	s15 =	sshll.u32 @!p1 s15, $0xD  }
0x28: {  	s14 =	sadd.s32 @!p1 s14, s16;
	s15 =	sand.u32 @!p1 $0x2000, s15;
	s16 =	simm.s32 @!p1 $0x40  }
0x29: {  	[tilespmem:s15], [sflag:$0x1] =	stream.strided.gather @!p1 [hbm4b:s14+s16], $0x2000, s17, s16, $0x38;
	[tilespmem:$0x8080] =	vst v63  }
0x2a: {  	p1 =	sge.u32 s31, s5  }
.Ltmp2:
0x2b: {  	_ = 	snop;
	(pc) =	sbr.rel @p1 .LBB1_5-.Ltmp2, $1  }
0x2c: {  	_ =	sdelay $0x3  }
0x2d: {  	s14 =	simm.s32 $0x1  }
0x2e: {  	_ =	swait.ge [sflag:s4], $0x2000;
	s14 =	simm.s32 @!p0 $0x0  }
0x2f: {  	[sflag:s4] =	ssyncset.done $0x0;
	s15 =	sshll.u32 s14, $0xD  }
0x30: {  	[sflag:s4] =	ssyncadd.s32 $0xFFFFE000;
	s15 =	sor.u32 $0x20, s15  }
0x31: {  	v0 =	vld [tilespmem:s15+$0x0]  }
0x32: {  	v1 =	vld [tilespmem:s15+$0x10]  }
0x33: {  	v2 =	vld [tilespmem:s15+$0xFFFFFFF0]  }
0x34: {  	v3 =	vld [tilespmem:s15+$0xFFFFFFE0];
	_ =	sdelay $0x1  }
0x35: {  	s14 =	smul.u32 $0x8100, s14;
	s19 =	sadd.s32 $0x40, s15  }
0x36: {  	s16 =	sand.u32 $0x1, s11;
	v4 =	vperm.xlane.i2c.b16 v1;
	v5 =	vperm.xlane.i2c.b16 v0;
	v0 =	vld [tilespmem:s19+$0x0]  }
0x37: {  	s16 =	smul.u32 $0x8100, s16;
	s14 =	sshrl.u32 s14, $0x2;
	v6 =	vperm.xlane.i2c.b16 v2;
	v1 =	vld [tilespmem:s19+$0x10]  }
0x38: {  	s15 =	sor.u32 $0x4000, s14;
	v8 =	vperm.xlane.i2c.b16 v3;
	v2 =	vld [tilespmem:s19+$0xFFFFFFF0];
	v7 =	vcombine.low v5, v4  }
0x39: {  	s31 =	sshrl.u32 s16, $0x2;
	s16 =	sadd.s32 $0x0, s15;
	v3 =	vld [tilespmem:s19+$0xFFFFFFE0];
	v9 =	vcombine.high v5, v4  }
0x3a: {  	s17 =	simm.s32 $0x4;
	v5 =	vcombine.low v8, v6;
	[tilespmem:s16+$0x810 ss:$0x81] =	vst.msk $0xffff, v7  }
0x3b: {  	s18 =	simm.s32 $0x8;
	s14 =	sor.u32 $0x4000, s31;
	s19 =	sadd.s32 $0x40, s19;
	v4 =	vcombine.high v8, v6;
	[tilespmem:s16+$0x1830 ss:$0x81] =	vst.msk $0xffff, v9  }
.LBB1_3:
0x3c: {  	v6 =	vperm.xlane.i2c.b16 v1;
	v7 =	vperm.xlane.i2c.b16 v0;
	v0 =	vld [tilespmem:s19+$0x0];
	[tilespmem:s16+$0x0 ss:$0x81] =	vst.msk $0xffff, v5;
	s20 =	smov.u32 s18;
	p1 =	sne.s32 s18, $0x1FC  }
.Ltmp3:
0x3d: {  	v8 =	vperm.xlane.i2c.b16 v2;
	v1 =	vld [tilespmem:s19+$0x10];
	[tilespmem:s16+$0x1020 ss:$0x81] =	vst.msk $0xffff, v4;
	(pc) =	sbr.rel @p1 .LBB1_3-.Ltmp3, $4  }
0x3e: {  	s18 =	sadd.s32 $0x4, s18;
	v4 =	vperm.xlane.i2c.b16 v3;
	s16 =	sshra.s32 s17, $0x2;
	v2 =	vld [tilespmem:s19+$0xFFFFFFF0];
	v9 =	vcombine.low v7, v6  }
0x3f: {  	s17 =	smov.u32 s20;
	s16 =	sadd.s32 s16, s15;
	v6 =	vcombine.high v7, v6;
	v3 =	vld [tilespmem:s19+$0xFFFFFFE0]  }
0x40: {  	v5 =	vcombine.low v4, v8;
	v4 =	vcombine.high v4, v8;
	[tilespmem:s16+$0x810 ss:$0x81] =	vst.msk $0xffff, v9  }
0x41: {  	s19 =	sadd.s32 $0x40, s19;
	[tilespmem:s16+$0x1830 ss:$0x81] =	vst.msk $0xffff, v6  }
.Ltmp4:
0x42: {  	_ = 	snop;
	(pc) =	sbr.rel .LBB1_4-.Ltmp4, $1  }
0x43: {  	_ =	sdelay $0x3  }
.LBB1_6:
0x44: {  	_ =	sfence.sel $0x180000  }
0x45: {  	s2 =	simm.s32 $0x1;
	[bflag:$0x0] =	sbarrier.arrive $0xFFFF  }
0x46: {  	s31 =	simm.s32 $0x2;
	[sflag:s2] =	ssyncpa.u1 $0x1  }
0x47: {  	[sflag:s31] =	ssyncpa.u1 $0x1  }
0x48: {  	p0 =	sne.s32 s0, $0x0;
	_ =	strace $0x9000004D  }
0x49: {  	s0 =	sadd.s32 @!p0 $0x100000, s1;
	[bflag:$0x2] =	sbarrier.arrive $0xFFFF  }
0x4a: {  	[sflag:s0] =	ssyncadd.tile.s32 @!p0 $0x1;
	_ =	shalt  }
.Lfunc_end1:
_tile_overlayer_lowered:
.L_overlay_start_2:
0x4b: {  	(tag) =	ssettag $0x2  }
0x4c: {  	s0 =	rddreg [dreg:$0x0];
	s2 =	stileid.u32  }
0x4d: {  	s1 =	rddreg [dreg:$0x1];
	p0 =	sne.s32 s2, $0x0  }
0x4e: {  	s3 =	rddreg [dreg:$0x2];
	[bflag:$0x3] =	sbarrier.arrive $0xFFFF;
	s2 =	simm.s32 @!p0 $0x1C01  }
0x4f: {  	[timem:s3], [sflag:s2] =	dma.local @!p0 [hbm:s0], s1  }
0x50: {  	s0 =	simm.s32 @!p0 $0x1  }
0x51: {  	_ =	swait.ge @!p0 [sflag:s0], s1  }
0x52: {  	s1 =	ssub.s32 @!p0 $0x0, s1;
	[sflag:s0] =	ssyncset.done @!p0 $0x0  }
0x53: {  	[sflag:s0] =	ssyncadd.s32 @!p0 s1  }
0x54: {  	[bflag:$0x3] =	sbarrier.arrive $0xFFFF  }
0x55: {  	_ =	shalt  }

</sc_bundles>
